<compile_context>
chip_gen: v7x
topology: tpu7x:2x2x1
jax: 0.10.2.dev20260603
libtpu: 0.0.44.dev20260713+nightly
codegen_flags: <defaults>
</compile_context>

<pallas_src>
import dataclasses
import functools

import jax
import jax.numpy as jnp
from jax import lax
from jax.experimental import pallas as pl
from jax.experimental.pallas import tpu as pltpu
from jax.experimental.pallas import tpu_sc as plsc

B, S, H = 1, 2048, 1024
E, K, I = 8, 2, 512
T = B * S
TILE = 256
NTR = 24
ROWS = NTR * TILE
SH_TILE = 512

NC, NS = 2, 16
NW = NC * NS


def _router_kernel(x_ref, wg_ref, pw_ref, pos_ref, te_ref):
    logits = jnp.dot(x_ref[...], wg_ref[...].T,
                     preferred_element_type=jnp.float32)
    m1 = jnp.max(logits, axis=-1, keepdims=True)
    sel1 = (logits == m1).astype(jnp.float32)
    masked = jnp.where(sel1 > 0, -jnp.inf, logits)
    m2 = jnp.max(masked, axis=-1, keepdims=True)
    sel2 = (masked == m2).astype(jnp.float32)

    e2 = jnp.exp(m2 - m1)
    denom = 1.0 + e2 + 1e-20
    w1 = 1.0 / denom
    w2 = e2 / denom
    col = lax.broadcasted_iota(jnp.int32, (T, E), 1)
    pw_ref[...] = jnp.where(col == 0, w1, jnp.where(col == 1, w2, 0.0))

    def _cumsum0(a):
        c = a
        k = 1
        while k < T:
            c = c + jnp.concatenate(
                [jnp.zeros((k, E), a.dtype), c[:-k]], axis=0)
            k *= 2
        return c

    c1 = _cumsum0(sel1)
    c2 = _cumsum0(sel2)
    rank1 = c1 - sel1
    rank2 = c2 - sel2
    count1 = c1[-1:, :]
    count2 = c2[-1:, :]
    count = count1 + count2
    tiles = jnp.floor((count + (TILE - 1)) * (1.0 / TILE))
    lo = lax.broadcasted_iota(jnp.int32, (E, E), 0)
    hi = lax.broadcasted_iota(jnp.int32, (E, E), 1)
    cumt = jnp.dot(tiles, (lo <= hi).astype(jnp.float32),
                   preferred_element_type=jnp.float32)
    row_start = TILE * (cumt - tiles)

    p1 = jnp.sum(sel1 * (row_start + rank1), axis=1, keepdims=True)
    p2 = jnp.sum(sel2 * (row_start + count1 + rank2), axis=1, keepdims=True)
    pos_ref[...] = jnp.where(col == 0, p1.astype(jnp.int32),
                             jnp.where(col == 1, p2.astype(jnp.int32), 0))

    ti = lax.broadcasted_iota(jnp.int32, (NTR, E), 0).astype(jnp.float32)
    te = jnp.sum((ti >= cumt).astype(jnp.int32), axis=1, keepdims=True)
    te_ref[...] = jnp.broadcast_to(te, (NTR, E))


def _scatter_kernel(pos_hbm, src_hbm, pos_v, src_v):
    wid = lax.axis_index("s") * NC + lax.axis_index("c")

    @pl.when(wid == 0)
    def _():
        pltpu.sync_copy(pos_hbm, pos_v)
        iota16 = lax.iota(jnp.int32, 16)

        @pl.loop(0, ROWS, step=16)
        def _(i):
            src_v[pl.ds(i, 16)] = (iota16 + i) & (T - 1)

        @pl.loop(0, T, step=16)
        def _(i):
            tok = iota16 + i
            p1 = plsc.load_gather(pos_v, [tok * E])
            plsc.store_scatter(src_v, [p1], tok)
            p2 = plsc.load_gather(pos_v, [tok * E + 1])
            plsc.store_scatter(src_v, [p2], tok)

        pltpu.sync_copy(src_v, src_hbm)


def _gather_kernel(table_hbm, idx_hbm, out_hbm, idx_v, rows_v, sem):
    wid = lax.axis_index("s") * NC + lax.axis_index("c")
    per_w = ROWS // NW
    chunk = 96
    base = wid * per_w
    pltpu.sync_copy(idx_hbm.at[pl.ds(base, per_w)], idx_v)
    for k in range(per_w // chunk):
        pltpu.async_copy(table_hbm.at[idx_v.at[pl.ds(k * chunk, chunk)]],
                         rows_v, sem).wait()
        pltpu.sync_copy(rows_v, out_hbm.at[pl.ds(base + k * chunk, chunk)])


def _ffn_body(x_ref, wg_ref, wu_ref, wd_ref, o_ref):
    xb = x_ref[...].astype(jnp.bfloat16)
    g = jnp.dot(xb, wg_ref[0].T, preferred_element_type=jnp.float32)
    u = jnp.dot(xb, wu_ref[0].T, preferred_element_type=jnp.float32)
    hmid = (g * jax.nn.sigmoid(g)) * u
    o_ref[...] = jnp.dot(hmid.astype(jnp.bfloat16), wd_ref[0].T,
                         preferred_element_type=jnp.float32)


def _ffn_routed_kernel(pf_ref, x_ref, wg_ref, wu_ref, wd_ref, o_ref):
    @pl.when(pf_ref[pl.program_id(0)] < E)
    def _():
        _ffn_body(x_ref, wg_ref, wu_ref, wd_ref, o_ref)


def _combine_kernel(pw_ref, r1_ref, r2_ref, sh_ref, o_ref):
    col = lax.broadcasted_iota(jnp.int32, (SH_TILE, E), 1)
    pw = pw_ref[...]
    w1 = jnp.sum(jnp.where(col == 0, pw, 0.0), axis=1, keepdims=True)
    w2 = jnp.sum(jnp.where(col == 1, pw, 0.0), axis=1, keepdims=True)
    o_ref[...] = w1 * r1_ref[...] + w2 * r2_ref[...] + sh_ref[...]


@jax.jit
def kernel(x, Wg, We_gate, We_up, We_down, Ws_gate, Ws_up, Ws_down):
    xf = x.reshape(T, H)

    pw, pos, te_mat = pl.pallas_call(
        _router_kernel,
        out_shape=(
            jax.ShapeDtypeStruct((T, E), jnp.float32),
            jax.ShapeDtypeStruct((T, E), jnp.int32),
            jax.ShapeDtypeStruct((NTR, E), jnp.int32),
        ),
    )(xf, Wg)

    sh = pl.pallas_call(
        _ffn_body,
        grid=(T // SH_TILE,),
        in_specs=[
            pl.BlockSpec((SH_TILE, H), lambda i: (i, 0)),
            pl.BlockSpec((1, I, H), lambda i: (0, 0, 0)),
            pl.BlockSpec((1, I, H), lambda i: (0, 0, 0)),
            pl.BlockSpec((1, H, I), lambda i: (0, 0, 0)),
        ],
        out_specs=pl.BlockSpec((SH_TILE, H), lambda i: (i, 0)),
        out_shape=jax.ShapeDtypeStruct((T, H), jnp.float32),
    )(xf, Ws_gate.astype(jnp.bfloat16)[None],
      Ws_up.astype(jnp.bfloat16)[None], Ws_down.astype(jnp.bfloat16)[None])

    mesh = plsc.VectorSubcoreMesh(core_axis_name="c", subcore_axis_name="s")
    sc_params = pltpu.CompilerParams()
    if "needs_layout_passes" in pltpu.CompilerParams.__dataclass_fields__:
        sc_params = dataclasses.replace(sc_params, needs_layout_passes=False)

    src = pl.kernel(
        _scatter_kernel,
        out_type=jax.ShapeDtypeStruct((ROWS,), jnp.int32),
        mesh=mesh,
        scratch_types=[pltpu.VMEM((T * E,), jnp.int32),
                       pltpu.VMEM((ROWS,), jnp.int32)],
        compiler_params=sc_params,
    )(pos.reshape(-1))

    x_sorted = pl.kernel(
        _gather_kernel,
        out_type=jax.ShapeDtypeStruct((ROWS, H), jnp.float32),
        mesh=mesh,
        scratch_types=[pltpu.VMEM((ROWS // NW,), jnp.int32),
                       pltpu.VMEM((96, H), jnp.float32),
                       pltpu.SemaphoreType.DMA],
        compiler_params=sc_params,
    )(xf, src)

    te = te_mat[:, 0]
    pf = jnp.minimum(te, E).astype(jnp.int32)

    we_g = We_gate.astype(jnp.bfloat16)
    we_u = We_up.astype(jnp.bfloat16)
    we_d = We_down.astype(jnp.bfloat16)

    os_ = pl.pallas_call(
        _ffn_routed_kernel,
        grid_spec=pltpu.PrefetchScalarGridSpec(
            num_scalar_prefetch=1,
            grid=(NTR,),
            in_specs=[
                pl.BlockSpec((TILE, H), lambda i, pf: (i, 0)),
                pl.BlockSpec((1, I, H),
                             lambda i, pf: (jnp.minimum(pf[i], E - 1), 0, 0)),
                pl.BlockSpec((1, I, H),
                             lambda i, pf: (jnp.minimum(pf[i], E - 1), 0, 0)),
                pl.BlockSpec((1, H, I),
                             lambda i, pf: (jnp.minimum(pf[i], E - 1), 0, 0)),
            ],
            out_specs=pl.BlockSpec((TILE, H), lambda i, pf: (i, 0)),
        ),
        out_shape=jax.ShapeDtypeStruct((ROWS, H), jnp.float32),
        compiler_params=pltpu.CompilerParams(
            dimension_semantics=("arbitrary",),
        ),
    )(pf, x_sorted, we_g, we_u, we_d)

    pos1 = pos[:, 0]
    pos2 = pos[:, 1]

    def _pair_gather(os_hbm, i1_hbm, i2_hbm, r1_hbm, r2_hbm,
                     idx_v, rows_v, sem):
        wid = lax.axis_index("s") * NC + lax.axis_index("c")
        base = wid * (T // NW)
        pltpu.sync_copy(i1_hbm.at[pl.ds(base, T // NW)], idx_v)
        pltpu.async_copy(os_hbm.at[idx_v], rows_v, sem).wait()
        pltpu.sync_copy(rows_v, r1_hbm.at[pl.ds(base, T // NW)])
        pltpu.sync_copy(i2_hbm.at[pl.ds(base, T // NW)], idx_v)
        pltpu.async_copy(os_hbm.at[idx_v], rows_v, sem).wait()
        pltpu.sync_copy(rows_v, r2_hbm.at[pl.ds(base, T // NW)])

    r1, r2 = pl.kernel(
        _pair_gather,
        out_type=(jax.ShapeDtypeStruct((T, H), jnp.float32),
                  jax.ShapeDtypeStruct((T, H), jnp.float32)),
        mesh=mesh,
        scratch_types=[pltpu.VMEM((T // NW,), jnp.int32),
                       pltpu.VMEM((T // NW, H), jnp.float32),
                       pltpu.SemaphoreType.DMA],
        compiler_params=sc_params,
    )(os_, pos1, pos2)

    y = pl.pallas_call(
        _combine_kernel,
        grid=(T // SH_TILE,),
        in_specs=[
            pl.BlockSpec((SH_TILE, E), lambda i: (i, 0)),
            pl.BlockSpec((SH_TILE, H), lambda i: (i, 0)),
            pl.BlockSpec((SH_TILE, H), lambda i: (i, 0)),
            pl.BlockSpec((SH_TILE, H), lambda i: (i, 0)),
        ],
        out_specs=pl.BlockSpec((SH_TILE, H), lambda i: (i, 0)),
        out_shape=jax.ShapeDtypeStruct((T, H), jnp.float32),
    )(pw, r1, r2, sh)
    return y.reshape(B, S, H)

# --- scband reference (transcript-rebuilt; emitter-appended) ---
"""Pipeline reference for scband-chronos-moefeed-forward-48799418417556 (READ-ONLY COPY).

The authoritative reference and input builder live on the scoring server;
editing this copy changes nothing except your own understanding.
"""

import jax, jax.numpy as jnp
import numpy as np

B, S, H = 1, 2048, 1024
E, K, I = 8, 2, 512
NUM_SHARED = 1


def _ffn(x, wg, wu, wd):
    # SwiGLU FeedForward: down(silu(gate(x)) * up(x)), linear layers no bias
    g = x @ wg.T
    u = x @ wu.T
    return (jax.nn.silu(g) * u) @ wd.T


def setup_inputs(seed: int = 0) -> dict:
    key = jax.random.key(seed)
    ks = jax.random.split(key, 8)
    x = jax.random.normal(ks[0], (B, S, H), dtype=jnp.float32)
    Wg = jax.random.normal(ks[1], (E, H), dtype=jnp.float32) * 0.02   # router gate
    We_gate = jax.random.normal(ks[2], (E, I, H), dtype=jnp.float32) * 0.02
    We_up = jax.random.normal(ks[3], (E, I, H), dtype=jnp.float32) * 0.02
    We_down = jax.random.normal(ks[4], (E, H, I), dtype=jnp.float32) * 0.02
    Ws_gate = jax.random.normal(ks[5], (I, H), dtype=jnp.float32) * 0.02
    Ws_up = jax.random.normal(ks[6], (I, H), dtype=jnp.float32) * 0.02
    Ws_down = jax.random.normal(ks[7], (H, I), dtype=jnp.float32) * 0.02
    return {"x": x, "Wg": Wg, "We_gate": We_gate, "We_up": We_up,
            "We_down": We_down, "Ws_gate": Ws_gate, "Ws_up": Ws_up, "Ws_down": Ws_down}


def reference(x, Wg, We_gate, We_up, We_down, Ws_gate, Ws_up, Ws_down):
    b, s, h = x.shape
    xf = x.reshape(-1, h)                       # [T, H]
    T = xf.shape[0]
    logits = xf @ Wg.T                          # [T, E]
    scores = jax.nn.softmax(logits, axis=-1)
    topk_w, topk_idx = jax.lax.top_k(scores, K)  # [T, K]
    # norm_topk_prob=True
    topk_w = topk_w / (topk_w.sum(axis=-1, keepdims=True) + 1e-20)
    # dense per-token per-expert weights (zero for non-selected experts);
    # mathematically identical to torch's per-expert index_add dispatch
    w_dense = jnp.zeros((T, E), dtype=xf.dtype).at[jnp.arange(T)[:, None], topk_idx].add(topk_w)
    g = jnp.einsum('th,eih->eti', xf, We_gate)   # [E, T, I]
    u = jnp.einsum('th,eih->eti', xf, We_up)
    hmid = jax.nn.silu(g) * u
    eo = jnp.einsum('eti,ehi->eth', hmid, We_down)  # [E, T, H]
    y = jnp.einsum('eth,te->th', eo, w_dense)       # weighted sum over experts
    # shared experts (num_shared_experts=1): averaged output always added
    shared = _ffn(xf, Ws_gate, Ws_up, Ws_down) / NUM_SHARED
    y = y + shared
    return y.reshape(b, s, h)

if __name__ == "__main__":
    import jax
    _d = setup_inputs()
    print(jax.jit(kernel)(*tuple(_d.values())))

</pallas_src>

<mosaic_0001>
#map = affine_map<(d0, d1) -> (0, 0)>
#map1 = affine_map<(d0, d1) -> (0)>
module attributes {stable_mosaic.version = 14 : i64} {
  func.func @_gather_kernel(%arg0: i32, %arg1: i32, %arg2: memref<2048x1024xf32, #tpu.memory_space<hbm>>, %arg3: memref<6144xi32, #tpu.memory_space<hbm>>, %arg4: memref<6144x1024xf32, #tpu.memory_space<hbm>>, %arg5: memref<192xi32, #tpu.memory_space<vmem>>, %arg6: memref<96x1024xf32, #tpu.memory_space<vmem>>, %arg7: memref<!tpu.dma_semaphore, #tpu.memory_space<semaphore_mem>>) attributes {dimension_semantics = [#tpu.dimension_semantics<core_parallel>, #tpu.dimension_semantics<subcore_parallel>], iteration_bounds = array<i64: 2, 16>, scalar_prefetch = 0 : i64, scratch_operands = 3 : i64, tpu.core_type = #tpu.core_type<sc_vector_subcore>, window_params = [{transform_indices = #map}, {transform_indices = #map1}, {transform_indices = #map}]} {
    %mul3A = arith.constant 2 : i32
    %mul3A_0 = arith.muli %arg1, %mul3A : i32
    %add3A = arith.addi %mul3A_0, %arg0 : i32
    %mul3A_1 = arith.constant 192 : i32
    %mul3A_2 = arith.muli %add3A, %mul3A_1 : i32
    "tpu.region"() ({
      %run_scoped3A = tpu.sem_alloc : memref<!tpu.dma_semaphore, #tpu.memory_space<semaphore_mem>>
      %dma_start3A_25 = tpu.memref_slice %arg3[%mul3A_2] : memref<6144xi32, #tpu.memory_space<hbm>> -> memref<192xi32, #tpu.memory_space<hbm>>
      %dma_start3A_26 = tpu.memref_slice %arg3[%mul3A_2] : memref<6144xi32, #tpu.memory_space<hbm>> -> memref<192xi32, #tpu.memory_space<hbm>>
      tpu.enqueue_dma source(%dma_start3A_26 : memref<192xi32, #tpu.memory_space<hbm>>) target(%arg5 : memref<192xi32, #tpu.memory_space<vmem>>) target_semaphore(%run_scoped3A : memref<!tpu.dma_semaphore, #tpu.memory_space<semaphore_mem>>)
      %dma_wait3A_27 = tpu.memref_slice %arg3[%mul3A_2] : memref<6144xi32, #tpu.memory_space<hbm>> -> memref<192xi32, #tpu.memory_space<hbm>>
      %dma_wait3A_28 = tpu.memref_slice %arg3[%mul3A_2] : memref<6144xi32, #tpu.memory_space<hbm>> -> memref<192xi32, #tpu.memory_space<hbm>>
      tpu.wait_dma2 semaphore(%run_scoped3A : memref<!tpu.dma_semaphore, #tpu.memory_space<semaphore_mem>>) src(%dma_wait3A_28 : memref<192xi32, #tpu.memory_space<hbm>>) dst(%arg5 : memref<192xi32, #tpu.memory_space<vmem>>)
      tpu.yield
    }) : () -> ()
    %dma_start3A = arith.constant 0 : i32
    %dma_start3A_3 = tpu.memref_slice %arg5[%dma_start3A] : memref<192xi32, #tpu.memory_space<vmem>> -> memref<96xi32, #tpu.memory_space<vmem>>
    %dma_start3A_4 = arith.constant 0 : i32
    %dma_start3A_5 = arith.constant 0 : i32
    %dma_start3A_6 = tpu.memref_slice %arg2[%dma_start3A_4, %dma_start3A_5] : memref<2048x1024xf32, #tpu.memory_space<hbm>> -> memref<2048x1024xf32, #tpu.memory_space<hbm>>
    tpu.enqueue_indirect_dma source(%dma_start3A_6 : memref<2048x1024xf32, #tpu.memory_space<hbm>>) target(%arg6 : memref<96x1024xf32, #tpu.memory_space<vmem>>) offsets(%dma_start3A_3 : memref<96xi32, #tpu.memory_space<vmem>>) semaphore(%arg7 : memref<!tpu.dma_semaphore, #tpu.memory_space<semaphore_mem>>)
    %dma_wait3A = arith.constant 0 : i32
    %dma_wait3A_7 = tpu.memref_slice %arg5[%dma_wait3A] : memref<192xi32, #tpu.memory_space<vmem>> -> memref<96xi32, #tpu.memory_space<vmem>>
    %dma_wait3A_8 = arith.constant 0 : i32
    %dma_wait3A_9 = arith.constant 0 : i32
    %dma_wait3A_10 = tpu.memref_slice %arg2[%dma_wait3A_8, %dma_wait3A_9] : memref<2048x1024xf32, #tpu.memory_space<hbm>> -> memref<2048x1024xf32, #tpu.memory_space<hbm>>
    tpu.wait_indirect_dma semaphore(%arg7 : memref<!tpu.dma_semaphore, #tpu.memory_space<semaphore_mem>>) src(%dma_wait3A_10 : memref<2048x1024xf32, #tpu.memory_space<hbm>>) dst(%arg6 : memref<96x1024xf32, #tpu.memory_space<vmem>>)
    %add3A_11 = arith.constant 0 : i32
    %add3A_12 = arith.addi %mul3A_2, %add3A_11 : i32
    "tpu.region"() ({
      %run_scoped3A = tpu.sem_alloc : memref<!tpu.dma_semaphore, #tpu.memory_space<semaphore_mem>>
      %dma_start3A_25 = arith.constant 0 : i32
      %dma_start3A_26 = tpu.memref_slice %arg4[%add3A_12, %dma_start3A_25] : memref<6144x1024xf32, #tpu.memory_space<hbm>> -> memref<96x1024xf32, #tpu.memory_space<hbm>>
      %dma_start3A_27 = arith.constant 0 : i32
      %dma_start3A_28 = tpu.memref_slice %arg4[%add3A_12, %dma_start3A_27] : memref<6144x1024xf32, #tpu.memory_space<hbm>> -> memref<96x1024xf32, #tpu.memory_space<hbm>>
      tpu.enqueue_dma source(%arg6 : memref<96x1024xf32, #tpu.memory_space<vmem>>) target(%dma_start3A_28 : memref<96x1024xf32, #tpu.memory_space<hbm>>) target_semaphore(%run_scoped3A : memref<!tpu.dma_semaphore, #tpu.memory_space<semaphore_mem>>)
      %dma_wait3A_29 = arith.constant 0 : i32
      %dma_wait3A_30 = tpu.memref_slice %arg4[%add3A_12, %dma_wait3A_29] : memref<6144x1024xf32, #tpu.memory_space<hbm>> -> memref<96x1024xf32, #tpu.memory_space<hbm>>
      %dma_wait3A_31 = arith.constant 0 : i32
      %dma_wait3A_32 = tpu.memref_slice %arg4[%add3A_12, %dma_wait3A_31] : memref<6144x1024xf32, #tpu.memory_space<hbm>> -> memref<96x1024xf32, #tpu.memory_space<hbm>>
      tpu.wait_dma2 semaphore(%run_scoped3A : memref<!tpu.dma_semaphore, #tpu.memory_space<semaphore_mem>>) src(%arg6 : memref<96x1024xf32, #tpu.memory_space<vmem>>) dst(%dma_wait3A_32 : memref<96x1024xf32, #tpu.memory_space<hbm>>)
      tpu.yield
    }) : () -> ()
    %dma_start3A_13 = arith.constant 96 : i32
    %dma_start3A_14 = tpu.memref_slice %arg5[%dma_start3A_13] : memref<192xi32, #tpu.memory_space<vmem>> -> memref<96xi32, #tpu.memory_space<vmem>>
    %dma_start3A_15 = arith.constant 0 : i32
    %dma_start3A_16 = arith.constant 0 : i32
    %dma_start3A_17 = tpu.memref_slice %arg2[%dma_start3A_15, %dma_start3A_16] : memref<2048x1024xf32, #tpu.memory_space<hbm>> -> memref<2048x1024xf32, #tpu.memory_space<hbm>>
    tpu.enqueue_indirect_dma source(%dma_start3A_17 : memref<2048x1024xf32, #tpu.memory_space<hbm>>) target(%arg6 : memref<96x1024xf32, #tpu.memory_space<vmem>>) offsets(%dma_start3A_14 : memref<96xi32, #tpu.memory_space<vmem>>) semaphore(%arg7 : memref<!tpu.dma_semaphore, #tpu.memory_space<semaphore_mem>>)
    %dma_wait3A_18 = arith.constant 96 : i32
    %dma_wait3A_19 = tpu.memref_slice %arg5[%dma_wait3A_18] : memref<192xi32, #tpu.memory_space<vmem>> -> memref<96xi32, #tpu.memory_space<vmem>>
    %dma_wait3A_20 = arith.constant 0 : i32
    %dma_wait3A_21 = arith.constant 0 : i32
    %dma_wait3A_22 = tpu.memref_slice %arg2[%dma_wait3A_20, %dma_wait3A_21] : memref<2048x1024xf32, #tpu.memory_space<hbm>> -> memref<2048x1024xf32, #tpu.memory_space<hbm>>
    tpu.wait_indirect_dma semaphore(%arg7 : memref<!tpu.dma_semaphore, #tpu.memory_space<semaphore_mem>>) src(%dma_wait3A_22 : memref<2048x1024xf32, #tpu.memory_space<hbm>>) dst(%arg6 : memref<96x1024xf32, #tpu.memory_space<vmem>>)
    %add3A_23 = arith.constant 96 : i32
    %add3A_24 = arith.addi %mul3A_2, %add3A_23 : i32
    "tpu.region"() ({
      %run_scoped3A = tpu.sem_alloc : memref<!tpu.dma_semaphore, #tpu.memory_space<semaphore_mem>>
      %dma_start3A_25 = arith.constant 0 : i32
      %dma_start3A_26 = tpu.memref_slice %arg4[%add3A_24, %dma_start3A_25] : memref<6144x1024xf32, #tpu.memory_space<hbm>> -> memref<96x1024xf32, #tpu.memory_space<hbm>>
      %dma_start3A_27 = arith.constant 0 : i32
      %dma_start3A_28 = tpu.memref_slice %arg4[%add3A_24, %dma_start3A_27] : memref<6144x1024xf32, #tpu.memory_space<hbm>> -> memref<96x1024xf32, #tpu.memory_space<hbm>>
      tpu.enqueue_dma source(%arg6 : memref<96x1024xf32, #tpu.memory_space<vmem>>) target(%dma_start3A_28 : memref<96x1024xf32, #tpu.memory_space<hbm>>) target_semaphore(%run_scoped3A : memref<!tpu.dma_semaphore, #tpu.memory_space<semaphore_mem>>)
      %dma_wait3A_29 = arith.constant 0 : i32
      %dma_wait3A_30 = tpu.memref_slice %arg4[%add3A_24, %dma_wait3A_29] : memref<6144x1024xf32, #tpu.memory_space<hbm>> -> memref<96x1024xf32, #tpu.memory_space<hbm>>
      %dma_wait3A_31 = arith.constant 0 : i32
      %dma_wait3A_32 = tpu.memref_slice %arg4[%add3A_24, %dma_wait3A_31] : memref<6144x1024xf32, #tpu.memory_space<hbm>> -> memref<96x1024xf32, #tpu.memory_space<hbm>>
      tpu.wait_dma2 semaphore(%run_scoped3A : memref<!tpu.dma_semaphore, #tpu.memory_space<semaphore_mem>>) src(%arg6 : memref<96x1024xf32, #tpu.memory_space<vmem>>) dst(%dma_wait3A_32 : memref<96x1024xf32, #tpu.memory_space<hbm>>)
      tpu.yield
    }) : () -> ()
    return
  }
}

#map = affine_map<(d0, d1) -> (0)>
module attributes {stable_mosaic.version = 14 : i64} {
  func.func @_scatter_kernel(%arg0: i32, %arg1: i32, %arg2: memref<16384xi32, #tpu.memory_space<hbm>>, %arg3: memref<6144xi32, #tpu.memory_space<hbm>>, %arg4: memref<16384xi32, #tpu.memory_space<vmem>>, %arg5: memref<6144xi32, #tpu.memory_space<vmem>>) attributes {dimension_semantics = [#tpu.dimension_semantics<core_parallel>, #tpu.dimension_semantics<subcore_parallel>], iteration_bounds = array<i64: 2, 16>, scalar_prefetch = 0 : i64, scratch_operands = 2 : i64, tpu.core_type = #tpu.core_type<sc_vector_subcore>, window_params = [{transform_indices = #map}, {transform_indices = #map}]} {
    %mul3A = arith.constant 2 : i32
    %mul3A_0 = arith.muli %arg1, %mul3A : i32
    %add3A = arith.addi %mul3A_0, %arg0 : i32
    %eq3A = arith.constant 0 : i32
    %eq3A_1 = arith.cmpi eq, %add3A, %eq3A : i32
    %convert_element_type3A = arith.extui %eq3A_1 : i1 to i32
    %cond3A = arith.constant 0 : i32
    %cond3A_2 = arith.cmpi ne, %convert_element_type3A, %cond3A : i32
    scf.if %cond3A_2 {
      "tpu.region"() ({
        %run_scoped3A = tpu.sem_alloc : memref<!tpu.dma_semaphore, #tpu.memory_space<semaphore_mem>>
        tpu.enqueue_dma source(%arg2 : memref<16384xi32, #tpu.memory_space<hbm>>) target(%arg4 : memref<16384xi32, #tpu.memory_space<vmem>>) target_semaphore(%run_scoped3A : memref<!tpu.dma_semaphore, #tpu.memory_space<semaphore_mem>>)
        tpu.wait_dma2 semaphore(%run_scoped3A : memref<!tpu.dma_semaphore, #tpu.memory_space<semaphore_mem>>) src(%arg2 : memref<16384xi32, #tpu.memory_space<hbm>>) dst(%arg4 : memref<16384xi32, #tpu.memory_space<vmem>>)
        tpu.yield
      }) : () -> ()
      %iota3A = tpu.iota {dimensions = array<i32: 0>} : vector<16xi32>
      %scan3A = arith.constant 0 : i32
      %scan3A_3 = arith.constant 384 : i32
      %scan3A_4 = arith.addi %scan3A, %scan3A_3 : i32
      %scan3A_5 = arith.constant 1 : i32
      scf.for %scan3A_12 = %scan3A to %scan3A_4 step %scan3A_5  : i32 {
        %mul3A_13 = arith.constant 16 : i32
        %mul3A_14 = arith.muli %scan3A_12, %mul3A_13 : i32
        %add3A_15 = arith.constant 0 : i32
        %add3A_16 = arith.addi %add3A_15, %mul3A_14 : i32
        %add3A_17 = vector.broadcast %add3A_16 : i32 to vector<16xi32>
        %add3A_18 = arith.addi %iota3A, %add3A_17 : vector<16xi32>
        %and3A = arith.constant 2047 : i32
        %and3A_19 = vector.broadcast %and3A : i32 to vector<16xi32>
        %and3A_20 = arith.andi %add3A_18, %and3A_19 : vector<16xi32>
        %swap3A = arith.index_cast %add3A_16 : i32 to index
        %swap3A_21 = tpu.vector_load %arg5[%swap3A] {strides = array<i32>} : memref<6144xi32, #tpu.memory_space<vmem>>, vector<16xi32>,
        tpu.vector_store %arg5[%swap3A], %and3A_20 {strides = array<i32>} : memref<6144xi32, #tpu.memory_space<vmem>>, vector<16xi32>,
      }
      %scan3A_6 = arith.constant 384 : i32
      %scan3A_7 = arith.constant 0 : i32
      %scan3A_8 = arith.constant 128 : i32
      %scan3A_9 = arith.addi %scan3A_7, %scan3A_8 : i32
      %scan3A_10 = arith.constant 1 : i32
      scf.for %scan3A_12 = %scan3A_7 to %scan3A_9 step %scan3A_10  : i32 {
        %mul3A_13 = arith.constant 16 : i32
        %mul3A_14 = arith.muli %scan3A_12, %mul3A_13 : i32
        %add3A_15 = arith.constant 0 : i32
        %add3A_16 = arith.addi %add3A_15, %mul3A_14 : i32
        %add3A_17 = vector.broadcast %add3A_16 : i32 to vector<16xi32>
        %add3A_18 = arith.addi %iota3A, %add3A_17 : vector<16xi32>
        %mul3A_19 = arith.constant 8 : i32
        %mul3A_20 = vector.broadcast %mul3A_19 : i32 to vector<16xi32>
        %mul3A_21 = arith.muli %add3A_18, %mul3A_20 : vector<16xi32>
        %gather3A = tpu.vector_load_idx %arg4[%mul3A_21] : memref<16384xi32, #tpu.memory_space<vmem>>[vector<16xi32>], vector<16xi32>,
        tpu.vector_store_idx %arg5[%gather3A], %add3A_18 : memref<6144xi32, #tpu.memory_space<vmem>>[vector<16xi32>], vector<16xi32>,
        %mul3A_22 = arith.constant 8 : i32
        %mul3A_23 = vector.broadcast %mul3A_22 : i32 to vector<16xi32>
        %mul3A_24 = arith.muli %add3A_18, %mul3A_23 : vector<16xi32>
        %add3A_25 = arith.constant 1 : i32
        %add3A_26 = vector.broadcast %add3A_25 : i32 to vector<16xi32>
        %add3A_27 = arith.addi %mul3A_24, %add3A_26 : vector<16xi32>
        %gather3A_28 = tpu.vector_load_idx %arg4[%add3A_27] : memref<16384xi32, #tpu.memory_space<vmem>>[vector<16xi32>], vector<16xi32>,
        tpu.vector_store_idx %arg5[%gather3A_28], %add3A_18 : memref<6144xi32, #tpu.memory_space<vmem>>[vector<16xi32>], vector<16xi32>,
      }
      %scan3A_11 = arith.constant 128 : i32
      "tpu.region"() ({
        %run_scoped3A = tpu.sem_alloc : memref<!tpu.dma_semaphore, #tpu.memory_space<semaphore_mem>>
        tpu.enqueue_dma source(%arg5 : memref<6144xi32, #tpu.memory_space<vmem>>) target(%arg3 : memref<6144xi32, #tpu.memory_space<hbm>>) target_semaphore(%run_scoped3A : memref<!tpu.dma_semaphore, #tpu.memory_space<semaphore_mem>>)
        tpu.wait_dma2 semaphore(%run_scoped3A : memref<!tpu.dma_semaphore, #tpu.memory_space<semaphore_mem>>) src(%arg5 : memref<6144xi32, #tpu.memory_space<vmem>>) dst(%arg3 : memref<6144xi32, #tpu.memory_space<hbm>>)
        tpu.yield
      }) : () -> ()
    } else {
    }
    return
  }
}

#map = affine_map<(d0, d1) -> (0, 0)>
#map1 = affine_map<(d0, d1) -> (0)>
module attributes {stable_mosaic.version = 14 : i64} {
  func.func @_pair_gather(%arg0: i32, %arg1: i32, %arg2: memref<6144x1024xf32, #tpu.memory_space<hbm>>, %arg3: memref<2048xi32, #tpu.memory_space<hbm>>, %arg4: memref<2048xi32, #tpu.memory_space<hbm>>, %arg5: memref<2048x1024xf32, #tpu.memory_space<hbm>>, %arg6: memref<2048x1024xf32, #tpu.memory_space<hbm>>, %arg7: memref<64xi32, #tpu.memory_space<vmem>>, %arg8: memref<64x1024xf32, #tpu.memory_space<vmem>>, %arg9: memref<!tpu.dma_semaphore, #tpu.memory_space<semaphore_mem>>) attributes {dimension_semantics = [#tpu.dimension_semantics<core_parallel>, #tpu.dimension_semantics<subcore_parallel>], iteration_bounds = array<i64: 2, 16>, scalar_prefetch = 0 : i64, scratch_operands = 3 : i64, tpu.core_type = #tpu.core_type<sc_vector_subcore>, window_params = [{transform_indices = #map}, {transform_indices = #map1}, {transform_indices = #map1}, {transform_indices = #map}, {transform_indices = #map}]} {
    %mul3A = arith.constant 2 : i32
    %mul3A_0 = arith.muli %arg1, %mul3A : i32
    %add3A = arith.addi %mul3A_0, %arg0 : i32
    %mul3A_1 = arith.constant 64 : i32
    %mul3A_2 = arith.muli %add3A, %mul3A_1 : i32
    "tpu.region"() ({
      %run_scoped3A = tpu.sem_alloc : memref<!tpu.dma_semaphore, #tpu.memory_space<semaphore_mem>>
      %dma_start3A_13 = tpu.memref_slice %arg3[%mul3A_2] : memref<2048xi32, #tpu.memory_space<hbm>> -> memref<64xi32, #tpu.memory_space<hbm>>
      %dma_start3A_14 = tpu.memref_slice %arg3[%mul3A_2] : memref<2048xi32, #tpu.memory_space<hbm>> -> memref<64xi32, #tpu.memory_space<hbm>>
      tpu.enqueue_dma source(%dma_start3A_14 : memref<64xi32, #tpu.memory_space<hbm>>) target(%arg7 : memref<64xi32, #tpu.memory_space<vmem>>) target_semaphore(%run_scoped3A : memref<!tpu.dma_semaphore, #tpu.memory_space<semaphore_mem>>)
      %dma_wait3A_15 = tpu.memref_slice %arg3[%mul3A_2] : memref<2048xi32, #tpu.memory_space<hbm>> -> memref<64xi32, #tpu.memory_space<hbm>>
      %dma_wait3A_16 = tpu.memref_slice %arg3[%mul3A_2] : memref<2048xi32, #tpu.memory_space<hbm>> -> memref<64xi32, #tpu.memory_space<hbm>>
      tpu.wait_dma2 semaphore(%run_scoped3A : memref<!tpu.dma_semaphore, #tpu.memory_space<semaphore_mem>>) src(%dma_wait3A_16 : memref<64xi32, #tpu.memory_space<hbm>>) dst(%arg7 : memref<64xi32, #tpu.memory_space<vmem>>)
      tpu.yield
    }) : () -> ()
    %dma_start3A = arith.constant 0 : i32
    %dma_start3A_3 = arith.constant 0 : i32
    %dma_start3A_4 = tpu.memref_slice %arg2[%dma_start3A, %dma_start3A_3] : memref<6144x1024xf32, #tpu.memory_space<hbm>> -> memref<6144x1024xf32, #tpu.memory_space<hbm>>
    tpu.enqueue_indirect_dma source(%dma_start3A_4 : memref<6144x1024xf32, #tpu.memory_space<hbm>>) target(%arg8 : memref<64x1024xf32, #tpu.memory_space<vmem>>) offsets(%arg7 : memref<64xi32, #tpu.memory_space<vmem>>) semaphore(%arg9 : memref<!tpu.dma_semaphore, #tpu.memory_space<semaphore_mem>>)
    %dma_wait3A = arith.constant 0 : i32
    %dma_wait3A_5 = arith.constant 0 : i32
    %dma_wait3A_6 = tpu.memref_slice %arg2[%dma_wait3A, %dma_wait3A_5] : memref<6144x1024xf32, #tpu.memory_space<hbm>> -> memref<6144x1024xf32, #tpu.memory_space<hbm>>
    tpu.wait_indirect_dma semaphore(%arg9 : memref<!tpu.dma_semaphore, #tpu.memory_space<semaphore_mem>>) src(%dma_wait3A_6 : memref<6144x1024xf32, #tpu.memory_space<hbm>>) dst(%arg8 : memref<64x1024xf32, #tpu.memory_space<vmem>>)
    "tpu.region"() ({
      %run_scoped3A = tpu.sem_alloc : memref<!tpu.dma_semaphore, #tpu.memory_space<semaphore_mem>>
      %dma_start3A_13 = arith.constant 0 : i32
      %dma_start3A_14 = tpu.memref_slice %arg5[%mul3A_2, %dma_start3A_13] : memref<2048x1024xf32, #tpu.memory_space<hbm>> -> memref<64x1024xf32, #tpu.memory_space<hbm>>
      %dma_start3A_15 = arith.constant 0 : i32
      %dma_start3A_16 = tpu.memref_slice %arg5[%mul3A_2, %dma_start3A_15] : memref<2048x1024xf32, #tpu.memory_space<hbm>> -> memref<64x1024xf32, #tpu.memory_space<hbm>>
      tpu.enqueue_dma source(%arg8 : memref<64x1024xf32, #tpu.memory_space<vmem>>) target(%dma_start3A_16 : memref<64x1024xf32, #tpu.memory_space<hbm>>) target_semaphore(%run_scoped3A : memref<!tpu.dma_semaphore, #tpu.memory_space<semaphore_mem>>)
      %dma_wait3A_17 = arith.constant 0 : i32
      %dma_wait3A_18 = tpu.memref_slice %arg5[%mul3A_2, %dma_wait3A_17] : memref<2048x1024xf32, #tpu.memory_space<hbm>> -> memref<64x1024xf32, #tpu.memory_space<hbm>>
      %dma_wait3A_19 = arith.constant 0 : i32
      %dma_wait3A_20 = tpu.memref_slice %arg5[%mul3A_2, %dma_wait3A_19] : memref<2048x1024xf32, #tpu.memory_space<hbm>> -> memref<64x1024xf32, #tpu.memory_space<hbm>>
      tpu.wait_dma2 semaphore(%run_scoped3A : memref<!tpu.dma_semaphore, #tpu.memory_space<semaphore_mem>>) src(%arg8 : memref<64x1024xf32, #tpu.memory_space<vmem>>) dst(%dma_wait3A_20 : memref<64x1024xf32, #tpu.memory_space<hbm>>)
      tpu.yield
    }) : () -> ()
    "tpu.region"() ({
      %run_scoped3A = tpu.sem_alloc : memref<!tpu.dma_semaphore, #tpu.memory_space<semaphore_mem>>
      %dma_start3A_13 = tpu.memref_slice %arg4[%mul3A_2] : memref<2048xi32, #tpu.memory_space<hbm>> -> memref<64xi32, #tpu.memory_space<hbm>>
      %dma_start3A_14 = tpu.memref_slice %arg4[%mul3A_2] : memref<2048xi32, #tpu.memory_space<hbm>> -> memref<64xi32, #tpu.memory_space<hbm>>
      tpu.enqueue_dma source(%dma_start3A_14 : memref<64xi32, #tpu.memory_space<hbm>>) target(%arg7 : memref<64xi32, #tpu.memory_space<vmem>>) target_semaphore(%run_scoped3A : memref<!tpu.dma_semaphore, #tpu.memory_space<semaphore_mem>>)
      %dma_wait3A_15 = tpu.memref_slice %arg4[%mul3A_2] : memref<2048xi32, #tpu.memory_space<hbm>> -> memref<64xi32, #tpu.memory_space<hbm>>
      %dma_wait3A_16 = tpu.memref_slice %arg4[%mul3A_2] : memref<2048xi32, #tpu.memory_space<hbm>> -> memref<64xi32, #tpu.memory_space<hbm>>
      tpu.wait_dma2 semaphore(%run_scoped3A : memref<!tpu.dma_semaphore, #tpu.memory_space<semaphore_mem>>) src(%dma_wait3A_16 : memref<64xi32, #tpu.memory_space<hbm>>) dst(%arg7 : memref<64xi32, #tpu.memory_space<vmem>>)
      tpu.yield
    }) : () -> ()
    %dma_start3A_7 = arith.constant 0 : i32
    %dma_start3A_8 = arith.constant 0 : i32
    %dma_start3A_9 = tpu.memref_slice %arg2[%dma_start3A_7, %dma_start3A_8] : memref<6144x1024xf32, #tpu.memory_space<hbm>> -> memref<6144x1024xf32, #tpu.memory_space<hbm>>
    tpu.enqueue_indirect_dma source(%dma_start3A_9 : memref<6144x1024xf32, #tpu.memory_space<hbm>>) target(%arg8 : memref<64x1024xf32, #tpu.memory_space<vmem>>) offsets(%arg7 : memref<64xi32, #tpu.memory_space<vmem>>) semaphore(%arg9 : memref<!tpu.dma_semaphore, #tpu.memory_space<semaphore_mem>>)
    %dma_wait3A_10 = arith.constant 0 : i32
    %dma_wait3A_11 = arith.constant 0 : i32
    %dma_wait3A_12 = tpu.memref_slice %arg2[%dma_wait3A_10, %dma_wait3A_11] : memref<6144x1024xf32, #tpu.memory_space<hbm>> -> memref<6144x1024xf32, #tpu.memory_space<hbm>>
    tpu.wait_indirect_dma semaphore(%arg9 : memref<!tpu.dma_semaphore, #tpu.memory_space<semaphore_mem>>) src(%dma_wait3A_12 : memref<6144x1024xf32, #tpu.memory_space<hbm>>) dst(%arg8 : memref<64x1024xf32, #tpu.memory_space<vmem>>)
    "tpu.region"() ({
      %run_scoped3A = tpu.sem_alloc : memref<!tpu.dma_semaphore, #tpu.memory_space<semaphore_mem>>
      %dma_start3A_13 = arith.constant 0 : i32
      %dma_start3A_14 = tpu.memref_slice %arg6[%mul3A_2, %dma_start3A_13] : memref<2048x1024xf32, #tpu.memory_space<hbm>> -> memref<64x1024xf32, #tpu.memory_space<hbm>>
      %dma_start3A_15 = arith.constant 0 : i32
      %dma_start3A_16 = tpu.memref_slice %arg6[%mul3A_2, %dma_start3A_15] : memref<2048x1024xf32, #tpu.memory_space<hbm>> -> memref<64x1024xf32, #tpu.memory_space<hbm>>
      tpu.enqueue_dma source(%arg8 : memref<64x1024xf32, #tpu.memory_space<vmem>>) target(%dma_start3A_16 : memref<64x1024xf32, #tpu.memory_space<hbm>>) target_semaphore(%run_scoped3A : memref<!tpu.dma_semaphore, #tpu.memory_space<semaphore_mem>>)
      %dma_wait3A_17 = arith.constant 0 : i32
      %dma_wait3A_18 = tpu.memref_slice %arg6[%mul3A_2, %dma_wait3A_17] : memref<2048x1024xf32, #tpu.memory_space<hbm>> -> memref<64x1024xf32, #tpu.memory_space<hbm>>
      %dma_wait3A_19 = arith.constant 0 : i32
      %dma_wait3A_20 = tpu.memref_slice %arg6[%mul3A_2, %dma_wait3A_19] : memref<2048x1024xf32, #tpu.memory_space<hbm>> -> memref<64x1024xf32, #tpu.memory_space<hbm>>
      tpu.wait_dma2 semaphore(%run_scoped3A : memref<!tpu.dma_semaphore, #tpu.memory_space<semaphore_mem>>) src(%arg8 : memref<64x1024xf32, #tpu.memory_space<vmem>>) dst(%dma_wait3A_20 : memref<64x1024xf32, #tpu.memory_space<hbm>>)
      tpu.yield
    }) : () -> ()
    return
  }
}

module attributes {stable_mosaic.version = 14 : i64} {
  func.func @_router_kernel(%arg0: memref<2048x1024xf32, #tpu.memory_space<vmem>>, %arg1: memref<8x1024xf32, #tpu.memory_space<vmem>>, %arg2: memref<2048x8xf32, #tpu.memory_space<vmem>>, %arg3: memref<2048x8xi32, #tpu.memory_space<vmem>>, %arg4: memref<24x8xi32, #tpu.memory_space<vmem>>) attributes {dimension_semantics = [], scalar_prefetch = 0 : i64, scratch_operands = 0 : i64, tpu.core_type = #tpu.core_type<tc>} {
    %get3A = arith.constant 0 : index
    %get3A_0 = arith.constant 0 : index
    %get3A_1 = vector.load %arg0[%get3A, %get3A_0] : memref<2048x1024xf32, #tpu.memory_space<vmem>>, vector<2048x1024xf32>
    %get3A_2 = arith.constant 0 : index
    %get3A_3 = arith.constant 0 : index
    %get3A_4 = vector.load %arg1[%get3A_2, %get3A_3] : memref<8x1024xf32, #tpu.memory_space<vmem>>, vector<8x1024xf32>
    %transpose3A = tpu.transpose %get3A_4, [1, 0] : vector<8x1024xf32> -> vector<1024x8xf32>
    %dot_general3A = arith.constant dense<0.000000e+00> : vector<2048x8xf32>
    %dot_general3A_5 = tpu.matmul %get3A_1, %transpose3A, %dot_general3A {dimension_numbers = #tpu.dot_dimension_numbers<[1], [0], [0], [1], [0, 0, 1, 1], [], []>, transpose_lhs_hint = false} : vector<2048x1024xf32>, vector<1024x8xf32>, vector<2048x8xf32> -> vector<2048x8xf32>
    %reduce_max3A = arith.constant dense<0xFF800000> : vector<2048xf32>
    %reduce_max3A_6 = vector.multi_reduction <maximumf>, %dot_general3A_5, %reduce_max3A [1] : vector<2048x8xf32> to vector<2048xf32>
    %broadcast_in_dim3A = vector.shape_cast %reduce_max3A_6 : vector<2048xf32> to vector<2048x1xf32>
    %eq3A = vector.broadcast %broadcast_in_dim3A : vector<2048x1xf32> to vector<2048x8xf32>
    %eq3A_7 = arith.cmpf oeq, %dot_general3A_5, %eq3A : vector<2048x8xf32>
    %convert_element_type3A = arith.extui %eq3A_7 : vector<2048x8xi1> to vector<2048x8xi32>
    %convert_element_type3A_8 = arith.sitofp %convert_element_type3A : vector<2048x8xi32> to vector<2048x8xf32>
    %gt3A = arith.constant 0.000000e+00 : f32
    %gt3A_9 = vector.broadcast %gt3A : f32 to vector<2048x8xf32>
    %gt3A_10 = arith.cmpf ogt, %convert_element_type3A_8, %gt3A_9 : vector<2048x8xf32>
    %jit3A = arith.constant 0xFF800000 : f32
    %broadcast_in_dim3A_11 = vector.broadcast %jit3A : f32 to vector<2048x8xf32>
    %select_n3A = arith.select %gt3A_10, %broadcast_in_dim3A_11, %dot_general3A_5 : vector<2048x8xi1>, vector<2048x8xf32>
    %reduce_max3A_12 = arith.constant dense<0xFF800000> : vector<2048xf32>
    %reduce_max3A_13 = vector.multi_reduction <maximumf>, %select_n3A, %reduce_max3A_12 [1] : vector<2048x8xf32> to vector<2048xf32>
    %broadcast_in_dim3A_14 = vector.shape_cast %reduce_max3A_13 : vector<2048xf32> to vector<2048x1xf32>
    %eq3A_15 = vector.broadcast %broadcast_in_dim3A_14 : vector<2048x1xf32> to vector<2048x8xf32>
    %eq3A_16 = arith.cmpf oeq, %select_n3A, %eq3A_15 : vector<2048x8xf32>
    %convert_element_type3A_17 = arith.extui %eq3A_16 : vector<2048x8xi1> to vector<2048x8xi32>
    %convert_element_type3A_18 = arith.sitofp %convert_element_type3A_17 : vector<2048x8xi32> to vector<2048x8xf32>
    %sub3A = arith.subf %broadcast_in_dim3A_14, %broadcast_in_dim3A : vector<2048x1xf32>
    %exp3A = math.exp %sub3A : vector<2048x1xf32>
    %add3A = arith.constant 1.000000e+00 : f32
    %add3A_19 = vector.broadcast %add3A : f32 to vector<2048x1xf32>
    %add3A_20 = arith.addf %add3A_19, %exp3A : vector<2048x1xf32>
    %add3A_21 = arith.constant 9.99999968E-21 : f32
    %add3A_22 = vector.broadcast %add3A_21 : f32 to vector<2048x1xf32>
    %add3A_23 = arith.addf %add3A_20, %add3A_22 : vector<2048x1xf32>
    %div3A = arith.constant 1.000000e+00 : f32
    %div3A_24 = vector.broadcast %div3A : f32 to vector<2048x1xf32>
    %div3A_25 = arith.divf %div3A_24, %add3A_23 : vector<2048x1xf32>
    %div3A_26 = arith.divf %exp3A, %add3A_23 : vector<2048x1xf32>
    %iota3A = tpu.iota {dimensions = array<i32: 1>} : vector<2048x8xi32>
    %eq3A_27 = arith.constant 0 : i32
    %eq3A_28 = vector.broadcast %eq3A_27 : i32 to vector<2048x8xi32>
    %eq3A_29 = arith.cmpi eq, %iota3A, %eq3A_28 : vector<2048x8xi32>
    %eq3A_30 = arith.constant 1 : i32
    %eq3A_31 = vector.broadcast %eq3A_30 : i32 to vector<2048x8xi32>
    %eq3A_32 = arith.cmpi eq, %iota3A, %eq3A_31 : vector<2048x8xi32>
    %jit3A_33 = arith.constant 0.000000e+00 : f32
    %broadcast_in_dim3A_34 = vector.shape_cast %div3A_26 : vector<2048x1xf32> to vector<2048x1xf32>
    %broadcast_in_dim3A_35 = vector.broadcast %broadcast_in_dim3A_34 : vector<2048x1xf32> to vector<2048x8xf32>
    %broadcast_in_dim3A_36 = vector.broadcast %jit3A_33 : f32 to vector<2048x8xf32>
    %select_n3A_37 = arith.select %eq3A_32, %broadcast_in_dim3A_35, %broadcast_in_dim3A_36 : vector<2048x8xi1>, vector<2048x8xf32>
    %broadcast_in_dim3A_38 = vector.shape_cast %div3A_25 : vector<2048x1xf32> to vector<2048x1xf32>
    %broadcast_in_dim3A_39 = vector.broadcast %broadcast_in_dim3A_38 : vector<2048x1xf32> to vector<2048x8xf32>
    %select_n3A_40 = arith.select %eq3A_29, %broadcast_in_dim3A_39, %select_n3A_37 : vector<2048x8xi1>, vector<2048x8xf32>
    %swap3A = arith.constant 0 : index
    %swap3A_41 = arith.constant 0 : index
    %swap3A_42 = vector.load %arg2[%swap3A, %swap3A_41] : memref<2048x8xf32, #tpu.memory_space<vmem>>, vector<2048x8xf32>
    tpu.vector_store %arg2[%swap3A, %swap3A_41], %select_n3A_40 {strides = array<i32>} : memref<2048x8xf32, #tpu.memory_space<vmem>>, vector<2048x8xf32>,
    %broadcast_in_dim3A_43 = arith.constant 0.000000e+00 : f32
    %broadcast_in_dim3A_44 = vector.broadcast %broadcast_in_dim3A_43 : f32 to vector<1x8xf32>
    %slice3A = vector.extract_strided_slice %convert_element_type3A_8 {offsets = [0, 0], sizes = [2047, 8], strides = [1, 1]} : vector<2048x8xf32> to vector<2047x8xf32>
    %concatenate3A = tpu.concatenate %broadcast_in_dim3A_44, %slice3A in 0 : vector<1x8xf32>, vector<2047x8xf32> -> vector<2048x8xf32>
    %add3A_45 = arith.addf %convert_element_type3A_8, %concatenate3A : vector<2048x8xf32>
    %broadcast_in_dim3A_46 = arith.constant 0.000000e+00 : f32
    %broadcast_in_dim3A_47 = vector.broadcast %broadcast_in_dim3A_46 : f32 to vector<2x8xf32>
    %slice3A_48 = vector.extract_strided_slice %add3A_45 {offsets = [0, 0], sizes = [2046, 8], strides = [1, 1]} : vector<2048x8xf32> to vector<2046x8xf32>
    %concatenate3A_49 = tpu.concatenate %broadcast_in_dim3A_47, %slice3A_48 in 0 : vector<2x8xf32>, vector<2046x8xf32> -> vector<2048x8xf32>
    %add3A_50 = arith.addf %add3A_45, %concatenate3A_49 : vector<2048x8xf32>
    %broadcast_in_dim3A_51 = arith.constant 0.000000e+00 : f32
    %broadcast_in_dim3A_52 = vector.broadcast %broadcast_in_dim3A_51 : f32 to vector<4x8xf32>
    %slice3A_53 = vector.extract_strided_slice %add3A_50 {offsets = [0, 0], sizes = [2044, 8], strides = [1, 1]} : vector<2048x8xf32> to vector<2044x8xf32>
    %concatenate3A_54 = tpu.concatenate %broadcast_in_dim3A_52, %slice3A_53 in 0 : vector<4x8xf32>, vector<2044x8xf32> -> vector<2048x8xf32>
    %add3A_55 = arith.addf %add3A_50, %concatenate3A_54 : vector<2048x8xf32>
    %broadcast_in_dim3A_56 = arith.constant 0.000000e+00 : f32
    %broadcast_in_dim3A_57 = vector.broadcast %broadcast_in_dim3A_56 : f32 to vector<8x8xf32>
    %slice3A_58 = vector.extract_strided_slice %add3A_55 {offsets = [0, 0], sizes = [2040, 8], strides = [1, 1]} : vector<2048x8xf32> to vector<2040x8xf32>
    %concatenate3A_59 = tpu.concatenate %broadcast_in_dim3A_57, %slice3A_58 in 0 : vector<8x8xf32>, vector<2040x8xf32> -> vector<2048x8xf32>
    %add3A_60 = arith.addf %add3A_55, %concatenate3A_59 : vector<2048x8xf32>
    %broadcast_in_dim3A_61 = arith.constant 0.000000e+00 : f32
    %broadcast_in_dim3A_62 = vector.broadcast %broadcast_in_dim3A_61 : f32 to vector<16x8xf32>
    %slice3A_63 = vector.extract_strided_slice %add3A_60 {offsets = [0, 0], sizes = [2032, 8], strides = [1, 1]} : vector<2048x8xf32> to vector<2032x8xf32>
    %concatenate3A_64 = tpu.concatenate %broadcast_in_dim3A_62, %slice3A_63 in 0 : vector<16x8xf32>, vector<2032x8xf32> -> vector<2048x8xf32>
    %add3A_65 = arith.addf %add3A_60, %concatenate3A_64 : vector<2048x8xf32>
    %broadcast_in_dim3A_66 = arith.constant 0.000000e+00 : f32
    %broadcast_in_dim3A_67 = vector.broadcast %broadcast_in_dim3A_66 : f32 to vector<32x8xf32>
    %slice3A_68 = vector.extract_strided_slice %add3A_65 {offsets = [0, 0], sizes = [2016, 8], strides = [1, 1]} : vector<2048x8xf32> to vector<2016x8xf32>
    %concatenate3A_69 = tpu.concatenate %broadcast_in_dim3A_67, %slice3A_68 in 0 : vector<32x8xf32>, vector<2016x8xf32> -> vector<2048x8xf32>
    %add3A_70 = arith.addf %add3A_65, %concatenate3A_69 : vector<2048x8xf32>
    %broadcast_in_dim3A_71 = arith.constant 0.000000e+00 : f32
    %broadcast_in_dim3A_72 = vector.broadcast %broadcast_in_dim3A_71 : f32 to vector<64x8xf32>
    %slice3A_73 = vector.extract_strided_slice %add3A_70 {offsets = [0, 0], sizes = [1984, 8], strides = [1, 1]} : vector<2048x8xf32> to vector<1984x8xf32>
    %concatenate3A_74 = tpu.concatenate %broadcast_in_dim3A_72, %slice3A_73 in 0 : vector<64x8xf32>, vector<1984x8xf32> -> vector<2048x8xf32>
    %add3A_75 = arith.addf %add3A_70, %concatenate3A_74 : vector<2048x8xf32>
    %broadcast_in_dim3A_76 = arith.constant 0.000000e+00 : f32
    %broadcast_in_dim3A_77 = vector.broadcast %broadcast_in_dim3A_76 : f32 to vector<128x8xf32>
    %slice3A_78 = vector.extract_strided_slice %add3A_75 {offsets = [0, 0], sizes = [1920, 8], strides = [1, 1]} : vector<2048x8xf32> to vector<1920x8xf32>
    %concatenate3A_79 = tpu.concatenate %broadcast_in_dim3A_77, %slice3A_78 in 0 : vector<128x8xf32>, vector<1920x8xf32> -> vector<2048x8xf32>
    %add3A_80 = arith.addf %add3A_75, %concatenate3A_79 : vector<2048x8xf32>
    %broadcast_in_dim3A_81 = arith.constant 0.000000e+00 : f32
    %broadcast_in_dim3A_82 = vector.broadcast %broadcast_in_dim3A_81 : f32 to vector<256x8xf32>
    %slice3A_83 = vector.extract_strided_slice %add3A_80 {offsets = [0, 0], sizes = [1792, 8], strides = [1, 1]} : vector<2048x8xf32> to vector<1792x8xf32>
    %concatenate3A_84 = tpu.concatenate %broadcast_in_dim3A_82, %slice3A_83 in 0 : vector<256x8xf32>, vector<1792x8xf32> -> vector<2048x8xf32>
    %add3A_85 = arith.addf %add3A_80, %concatenate3A_84 : vector<2048x8xf32>
    %broadcast_in_dim3A_86 = arith.constant 0.000000e+00 : f32
    %broadcast_in_dim3A_87 = vector.broadcast %broadcast_in_dim3A_86 : f32 to vector<512x8xf32>
    %slice3A_88 = vector.extract_strided_slice %add3A_85 {offsets = [0, 0], sizes = [1536, 8], strides = [1, 1]} : vector<2048x8xf32> to vector<1536x8xf32>
    %concatenate3A_89 = tpu.concatenate %broadcast_in_dim3A_87, %slice3A_88 in 0 : vector<512x8xf32>, vector<1536x8xf32> -> vector<2048x8xf32>
    %add3A_90 = arith.addf %add3A_85, %concatenate3A_89 : vector<2048x8xf32>
    %broadcast_in_dim3A_91 = arith.constant 0.000000e+00 : f32
    %broadcast_in_dim3A_92 = vector.broadcast %broadcast_in_dim3A_91 : f32 to vector<1024x8xf32>
    %slice3A_93 = vector.extract_strided_slice %add3A_90 {offsets = [0, 0], sizes = [1024, 8], strides = [1, 1]} : vector<2048x8xf32> to vector<1024x8xf32>
    %concatenate3A_94 = tpu.concatenate %broadcast_in_dim3A_92, %slice3A_93 in 0 : vector<1024x8xf32>, vector<1024x8xf32> -> vector<2048x8xf32>
    %add3A_95 = arith.addf %add3A_90, %concatenate3A_94 : vector<2048x8xf32>
    %broadcast_in_dim3A_96 = arith.constant 0.000000e+00 : f32
    %broadcast_in_dim3A_97 = vector.broadcast %broadcast_in_dim3A_96 : f32 to vector<1x8xf32>
    %slice3A_98 = vector.extract_strided_slice %convert_element_type3A_18 {offsets = [0, 0], sizes = [2047, 8], strides = [1, 1]} : vector<2048x8xf32> to vector<2047x8xf32>
    %concatenate3A_99 = tpu.concatenate %broadcast_in_dim3A_97, %slice3A_98 in 0 : vector<1x8xf32>, vector<2047x8xf32> -> vector<2048x8xf32>
    %add3A_100 = arith.addf %convert_element_type3A_18, %concatenate3A_99 : vector<2048x8xf32>
    %broadcast_in_dim3A_101 = arith.constant 0.000000e+00 : f32
    %broadcast_in_dim3A_102 = vector.broadcast %broadcast_in_dim3A_101 : f32 to vector<2x8xf32>
    %slice3A_103 = vector.extract_strided_slice %add3A_100 {offsets = [0, 0], sizes = [2046, 8], strides = [1, 1]} : vector<2048x8xf32> to vector<2046x8xf32>
    %concatenate3A_104 = tpu.concatenate %broadcast_in_dim3A_102, %slice3A_103 in 0 : vector<2x8xf32>, vector<2046x8xf32> -> vector<2048x8xf32>
    %add3A_105 = arith.addf %add3A_100, %concatenate3A_104 : vector<2048x8xf32>
    %broadcast_in_dim3A_106 = arith.constant 0.000000e+00 : f32
    %broadcast_in_dim3A_107 = vector.broadcast %broadcast_in_dim3A_106 : f32 to vector<4x8xf32>
    %slice3A_108 = vector.extract_strided_slice %add3A_105 {offsets = [0, 0], sizes = [2044, 8], strides = [1, 1]} : vector<2048x8xf32> to vector<2044x8xf32>
    %concatenate3A_109 = tpu.concatenate %broadcast_in_dim3A_107, %slice3A_108 in 0 : vector<4x8xf32>, vector<2044x8xf32> -> vector<2048x8xf32>
    %add3A_110 = arith.addf %add3A_105, %concatenate3A_109 : vector<2048x8xf32>
    %broadcast_in_dim3A_111 = arith.constant 0.000000e+00 : f32
    %broadcast_in_dim3A_112 = vector.broadcast %broadcast_in_dim3A_111 : f32 to vector<8x8xf32>
    %slice3A_113 = vector.extract_strided_slice %add3A_110 {offsets = [0, 0], sizes = [2040, 8], strides = [1, 1]} : vector<2048x8xf32> to vector<2040x8xf32>
    %concatenate3A_114 = tpu.concatenate %broadcast_in_dim3A_112, %slice3A_113 in 0 : vector<8x8xf32>, vector<2040x8xf32> -> vector<2048x8xf32>
    %add3A_115 = arith.addf %add3A_110, %concatenate3A_114 : vector<2048x8xf32>
    %broadcast_in_dim3A_116 = arith.constant 0.000000e+00 : f32
    %broadcast_in_dim3A_117 = vector.broadcast %broadcast_in_dim3A_116 : f32 to vector<16x8xf32>
    %slice3A_118 = vector.extract_strided_slice %add3A_115 {offsets = [0, 0], sizes = [2032, 8], strides = [1, 1]} : vector<2048x8xf32> to vector<2032x8xf32>
    %concatenate3A_119 = tpu.concatenate %broadcast_in_dim3A_117, %slice3A_118 in 0 : vector<16x8xf32>, vector<2032x8xf32> -> vector<2048x8xf32>
    %add3A_120 = arith.addf %add3A_115, %concatenate3A_119 : vector<2048x8xf32>
    %broadcast_in_dim3A_121 = arith.constant 0.000000e+00 : f32
    %broadcast_in_dim3A_122 = vector.broadcast %broadcast_in_dim3A_121 : f32 to vector<32x8xf32>
    %slice3A_123 = vector.extract_strided_slice %add3A_120 {offsets = [0, 0], sizes = [2016, 8], strides = [1, 1]} : vector<2048x8xf32> to vector<2016x8xf32>
    %concatenate3A_124 = tpu.concatenate %broadcast_in_dim3A_122, %slice3A_123 in 0 : vector<32x8xf32>, vector<2016x8xf32> -> vector<2048x8xf32>
    %add3A_125 = arith.addf %add3A_120, %concatenate3A_124 : vector<2048x8xf32>
    %broadcast_in_dim3A_126 = arith.constant 0.000000e+00 : f32
    %broadcast_in_dim3A_127 = vector.broadcast %broadcast_in_dim3A_126 : f32 to vector<64x8xf32>
    %slice3A_128 = vector.extract_strided_slice %add3A_125 {offsets = [0, 0], sizes = [1984, 8], strides = [1, 1]} : vector<2048x8xf32> to vector<1984x8xf32>
    %concatenate3A_129 = tpu.concatenate %broadcast_in_dim3A_127, %slice3A_128 in 0 : vector<64x8xf32>, vector<1984x8xf32> -> vector<2048x8xf32>
    %add3A_130 = arith.addf %add3A_125, %concatenate3A_129 : vector<2048x8xf32>
    %broadcast_in_dim3A_131 = arith.constant 0.000000e+00 : f32
    %broadcast_in_dim3A_132 = vector.broadcast %broadcast_in_dim3A_131 : f32 to vector<128x8xf32>
    %slice3A_133 = vector.extract_strided_slice %add3A_130 {offsets = [0, 0], sizes = [1920, 8], strides = [1, 1]} : vector<2048x8xf32> to vector<1920x8xf32>
    %concatenate3A_134 = tpu.concatenate %broadcast_in_dim3A_132, %slice3A_133 in 0 : vector<128x8xf32>, vector<1920x8xf32> -> vector<2048x8xf32>
    %add3A_135 = arith.addf %add3A_130, %concatenate3A_134 : vector<2048x8xf32>
    %broadcast_in_dim3A_136 = arith.constant 0.000000e+00 : f32
    %broadcast_in_dim3A_137 = vector.broadcast %broadcast_in_dim3A_136 : f32 to vector<256x8xf32>
    %slice3A_138 = vector.extract_strided_slice %add3A_135 {offsets = [0, 0], sizes = [1792, 8], strides = [1, 1]} : vector<2048x8xf32> to vector<1792x8xf32>
    %concatenate3A_139 = tpu.concatenate %broadcast_in_dim3A_137, %slice3A_138 in 0 : vector<256x8xf32>, vector<1792x8xf32> -> vector<2048x8xf32>
    %add3A_140 = arith.addf %add3A_135, %concatenate3A_139 : vector<2048x8xf32>
    %broadcast_in_dim3A_141 = arith.constant 0.000000e+00 : f32
    %broadcast_in_dim3A_142 = vector.broadcast %broadcast_in_dim3A_141 : f32 to vector<512x8xf32>
    %slice3A_143 = vector.extract_strided_slice %add3A_140 {offsets = [0, 0], sizes = [1536, 8], strides = [1, 1]} : vector<2048x8xf32> to vector<1536x8xf32>
    %concatenate3A_144 = tpu.concatenate %broadcast_in_dim3A_142, %slice3A_143 in 0 : vector<512x8xf32>, vector<1536x8xf32> -> vector<2048x8xf32>
    %add3A_145 = arith.addf %add3A_140, %concatenate3A_144 : vector<2048x8xf32>
    %broadcast_in_dim3A_146 = arith.constant 0.000000e+00 : f32
    %broadcast_in_dim3A_147 = vector.broadcast %broadcast_in_dim3A_146 : f32 to vector<1024x8xf32>
    %slice3A_148 = vector.extract_strided_slice %add3A_145 {offsets = [0, 0], sizes = [1024, 8], strides = [1, 1]} : vector<2048x8xf32> to vector<1024x8xf32>
    %concatenate3A_149 = tpu.concatenate %broadcast_in_dim3A_147, %slice3A_148 in 0 : vector<1024x8xf32>, vector<1024x8xf32> -> vector<2048x8xf32>
    %add3A_150 = arith.addf %add3A_145, %concatenate3A_149 : vector<2048x8xf32>
    %sub3A_151 = arith.subf %add3A_95, %convert_element_type3A_8 : vector<2048x8xf32>
    %sub3A_152 = arith.subf %add3A_150, %convert_element_type3A_18 : vector<2048x8xf32>
    %slice3A_153 = vector.extract_strided_slice %add3A_95 {offsets = [2047, 0], sizes = [1, 8], strides = [1, 1]} : vector<2048x8xf32> to vector<1x8xf32>
    %slice3A_154 = vector.extract_strided_slice %add3A_150 {offsets = [2047, 0], sizes = [1, 8], strides = [1, 1]} : vector<2048x8xf32> to vector<1x8xf32>
    %add3A_155 = arith.addf %slice3A_153, %slice3A_154 : vector<1x8xf32>
    %add3A_156 = arith.constant 2.550000e+02 : f32
    %add3A_157 = vector.broadcast %add3A_156 : f32 to vector<1x8xf32>
    %add3A_158 = arith.addf %add3A_155, %add3A_157 : vector<1x8xf32>
    %mul3A = arith.constant 3.906250e-03 : f32
    %mul3A_159 = vector.broadcast %mul3A : f32 to vector<1x8xf32>
    %mul3A_160 = arith.mulf %add3A_158, %mul3A_159 : vector<1x8xf32>
    %floor3A = math.floor %mul3A_160 : vector<1x8xf32>
    %iota3A_161 = tpu.iota {dimensions = array<i32: 0>} : vector<8x8xi32>
    %iota3A_162 = tpu.iota {dimensions = array<i32: 1>} : vector<8x8xi32>
    %le3A = arith.cmpi sle, %iota3A_161, %iota3A_162 : vector<8x8xi32>
    %convert_element_type3A_163 = arith.extui %le3A : vector<8x8xi1> to vector<8x8xi32>
    %convert_element_type3A_164 = arith.sitofp %convert_element_type3A_163 : vector<8x8xi32> to vector<8x8xf32>
    %dot_general3A_165 = arith.constant dense<0.000000e+00> : vector<1x8xf32>
    %dot_general3A_166 = tpu.matmul %floor3A, %convert_element_type3A_164, %dot_general3A_165 {dimension_numbers = #tpu.dot_dimension_numbers<[1], [0], [0], [1], [0, 0, 1, 1], [], []>, transpose_lhs_hint = false} : vector<1x8xf32>, vector<8x8xf32>, vector<1x8xf32> -> vector<1x8xf32>
    %sub3A_167 = arith.subf %dot_general3A_166, %floor3A : vector<1x8xf32>
    %mul3A_168 = arith.constant 2.560000e+02 : f32
    %mul3A_169 = vector.broadcast %mul3A_168 : f32 to vector<1x8xf32>
    %mul3A_170 = arith.mulf %mul3A_169, %sub3A_167 : vector<1x8xf32>
    %add3A_171 = vector.broadcast %mul3A_170 : vector<1x8xf32> to vector<2048x8xf32>
    %add3A_172 = arith.addf %add3A_171, %sub3A_151 : vector<2048x8xf32>
    %mul3A_173 = arith.mulf %convert_element_type3A_8, %add3A_172 : vector<2048x8xf32>
    %reduce_sum3A = arith.constant dense<0.000000e+00> : vector<2048xf32>
    %reduce_sum3A_174 = vector.multi_reduction <add>, %mul3A_173, %reduce_sum3A [1] : vector<2048x8xf32> to vector<2048xf32>
    %broadcast_in_dim3A_175 = vector.shape_cast %reduce_sum3A_174 : vector<2048xf32> to vector<2048x1xf32>
    %add3A_176 = arith.addf %mul3A_170, %slice3A_153 : vector<1x8xf32>
    %add3A_177 = vector.broadcast %add3A_176 : vector<1x8xf32> to vector<2048x8xf32>
    %add3A_178 = arith.addf %add3A_177, %sub3A_152 : vector<2048x8xf32>
    %mul3A_179 = arith.mulf %convert_element_type3A_18, %add3A_178 : vector<2048x8xf32>
    %reduce_sum3A_180 = arith.constant dense<0.000000e+00> : vector<2048xf32>
    %reduce_sum3A_181 = vector.multi_reduction <add>, %mul3A_179, %reduce_sum3A_180 [1] : vector<2048x8xf32> to vector<2048xf32>
    %broadcast_in_dim3A_182 = vector.shape_cast %reduce_sum3A_181 : vector<2048xf32> to vector<2048x1xf32>
    %eq3A_183 = arith.constant 0 : i32
    %eq3A_184 = vector.broadcast %eq3A_183 : i32 to vector<2048x8xi32>
    %eq3A_185 = arith.cmpi eq, %iota3A, %eq3A_184 : vector<2048x8xi32>
    %convert_element_type3A_186 = arith.fptosi %broadcast_in_dim3A_175 : vector<2048x1xf32> to vector<2048x1xi32>
    %eq3A_187 = arith.constant 1 : i32
    %eq3A_188 = vector.broadcast %eq3A_187 : i32 to vector<2048x8xi32>
    %eq3A_189 = arith.cmpi eq, %iota3A, %eq3A_188 : vector<2048x8xi32>
    %convert_element_type3A_190 = arith.fptosi %broadcast_in_dim3A_182 : vector<2048x1xf32> to vector<2048x1xi32>
    %jit3A_191 = arith.constant 0 : i32
    %broadcast_in_dim3A_192 = vector.shape_cast %convert_element_type3A_190 : vector<2048x1xi32> to vector<2048x1xi32>
    %broadcast_in_dim3A_193 = vector.broadcast %broadcast_in_dim3A_192 : vector<2048x1xi32> to vector<2048x8xi32>
    %broadcast_in_dim3A_194 = vector.broadcast %jit3A_191 : i32 to vector<2048x8xi32>
    %select_n3A_195 = arith.select %eq3A_189, %broadcast_in_dim3A_193, %broadcast_in_dim3A_194 : vector<2048x8xi1>, vector<2048x8xi32>
    %broadcast_in_dim3A_196 = vector.shape_cast %convert_element_type3A_186 : vector<2048x1xi32> to vector<2048x1xi32>
    %broadcast_in_dim3A_197 = vector.broadcast %broadcast_in_dim3A_196 : vector<2048x1xi32> to vector<2048x8xi32>
    %select_n3A_198 = arith.select %eq3A_185, %broadcast_in_dim3A_197, %select_n3A_195 : vector<2048x8xi1>, vector<2048x8xi32>
    %swap3A_199 = arith.constant 0 : index
    %swap3A_200 = arith.constant 0 : index
    %swap3A_201 = vector.load %arg3[%swap3A_199, %swap3A_200] : memref<2048x8xi32, #tpu.memory_space<vmem>>, vector<2048x8xi32>
    tpu.vector_store %arg3[%swap3A_199, %swap3A_200], %select_n3A_198 {strides = array<i32>} : memref<2048x8xi32, #tpu.memory_space<vmem>>, vector<2048x8xi32>,
    %iota3A_202 = tpu.iota {dimensions = array<i32: 0>} : vector<24x8xi32>
    %convert_element_type3A_203 = arith.sitofp %iota3A_202 : vector<24x8xi32> to vector<24x8xf32>
    %ge3A = vector.broadcast %dot_general3A_166 : vector<1x8xf32> to vector<24x8xf32>
    %ge3A_204 = arith.cmpf oge, %convert_element_type3A_203, %ge3A : vector<24x8xf32>
    %convert_element_type3A_205 = arith.extui %ge3A_204 : vector<24x8xi1> to vector<24x8xi32>
    %reduce_sum3A_206 = arith.constant dense<0> : vector<24xi32>
    %reduce_sum3A_207 = vector.multi_reduction <add>, %convert_element_type3A_205, %reduce_sum3A_206 [1] : vector<24x8xi32> to vector<24xi32>
    %broadcast_in_dim3A_208 = vector.shape_cast %reduce_sum3A_207 : vector<24xi32> to vector<24x1xi32>
    %broadcast_in_dim3A_209 = vector.shape_cast %broadcast_in_dim3A_208 : vector<24x1xi32> to vector<24x1xi32>
    %broadcast_in_dim3A_210 = vector.broadcast %broadcast_in_dim3A_209 : vector<24x1xi32> to vector<24x8xi32>
    %swap3A_211 = arith.constant 0 : index
    %swap3A_212 = arith.constant 0 : index
    %swap3A_213 = vector.load %arg4[%swap3A_211, %swap3A_212] : memref<24x8xi32, #tpu.memory_space<vmem>>, vector<24x8xi32>
    tpu.vector_store %arg4[%swap3A_211, %swap3A_212], %broadcast_in_dim3A_210 {strides = array<i32>} : memref<24x8xi32, #tpu.memory_space<vmem>>, vector<24x8xi32>,
    return
  }
}

module attributes {stable_mosaic.version = 14 : i64} {
  func.func @_ffn_routed_kernel(%arg0: i32, %arg1: memref<24xi32, #tpu.memory_space<smem>>, %arg2: memref<256x1024xf32, #tpu.memory_space<vmem>>, %arg3: memref<1x512x1024xbf16, #tpu.memory_space<vmem>>, %arg4: memref<1x512x1024xbf16, #tpu.memory_space<vmem>>, %arg5: memref<1x1024x512xbf16, #tpu.memory_space<vmem>>, %arg6: memref<256x1024xf32, #tpu.memory_space<vmem>>) attributes {dimension_semantics = [#tpu.dimension_semantics<arbitrary>], iteration_bounds = array<i64: 24>, scalar_prefetch = 1 : i64, scratch_operands = 0 : i64, tpu.core_type = #tpu.core_type<tc>, window_params = [{transform_indices = @transform_0, window_bounds = array<i64: 256, 1024>}, {transform_indices = @transform_1, window_bounds = array<i64: 1, 512, 1024>}, {transform_indices = @transform_2, window_bounds = array<i64: 1, 512, 1024>}, {transform_indices = @transform_3, window_bounds = array<i64: 1, 1024, 512>}, {transform_indices = @transform_4, window_bounds = array<i64: 256, 1024>}]} {
    %get3A = arith.index_cast %arg0 : i32 to index
    %get3A_0 = memref.load %arg1[%get3A] : memref<24xi32, #tpu.memory_space<smem>>
    %lt3A = arith.constant 8 : i32
    %lt3A_1 = arith.cmpi slt, %get3A_0, %lt3A : i32
    %convert_element_type3A = arith.extui %lt3A_1 : i1 to i32
    %cond3A = arith.constant 0 : i32
    %cond3A_2 = arith.cmpi ne, %convert_element_type3A, %cond3A : i32
    scf.if %cond3A_2 {
      %get3A_3 = arith.constant 0 : index
      %get3A_4 = arith.constant 0 : index
      %get3A_5 = vector.load %arg2[%get3A_3, %get3A_4] : memref<256x1024xf32, #tpu.memory_space<vmem>>, vector<256x1024xf32>
      %convert_element_type3A_6 = arith.truncf %get3A_5 : vector<256x1024xf32> to vector<256x1024xbf16>
      %get3A_7 = arith.constant 0 : index
      %get3A_8 = arith.constant 0 : index
      %get3A_9 = arith.constant 0 : index
      %get3A_10 = vector.load %arg3[%get3A_7, %get3A_8, %get3A_9] : memref<1x512x1024xbf16, #tpu.memory_space<vmem>>, vector<1x512x1024xbf16>
      %get3A_11 = vector.shape_cast %get3A_10 : vector<1x512x1024xbf16> to vector<512x1024xbf16>
      %transpose3A = tpu.transpose %get3A_11, [1, 0] : vector<512x1024xbf16> -> vector<1024x512xbf16>
      %dot_general3A = arith.constant dense<0.000000e+00> : vector<256x512xf32>
      %dot_general3A_12 = tpu.matmul %convert_element_type3A_6, %transpose3A, %dot_general3A {dimension_numbers = #tpu.dot_dimension_numbers<[1], [0], [0], [1], [0, 0, 1, 1], [], []>, transpose_lhs_hint = false} : vector<256x1024xbf16>, vector<1024x512xbf16>, vector<256x512xf32> -> vector<256x512xf32>
      %get3A_13 = arith.constant 0 : index
      %get3A_14 = arith.constant 0 : index
      %get3A_15 = arith.constant 0 : index
      %get3A_16 = vector.load %arg4[%get3A_13, %get3A_14, %get3A_15] : memref<1x512x1024xbf16, #tpu.memory_space<vmem>>, vector<1x512x1024xbf16>
      %get3A_17 = vector.shape_cast %get3A_16 : vector<1x512x1024xbf16> to vector<512x1024xbf16>
      %transpose3A_18 = tpu.transpose %get3A_17, [1, 0] : vector<512x1024xbf16> -> vector<1024x512xbf16>
      %dot_general3A_19 = arith.constant dense<0.000000e+00> : vector<256x512xf32>
      %dot_general3A_20 = tpu.matmul %convert_element_type3A_6, %transpose3A_18, %dot_general3A_19 {dimension_numbers = #tpu.dot_dimension_numbers<[1], [0], [0], [1], [0, 0, 1, 1], [], []>, transpose_lhs_hint = false} : vector<256x1024xbf16>, vector<1024x512xbf16>, vector<256x512xf32> -> vector<256x512xf32>
      %logistic3A = arith.negf %dot_general3A_12 : vector<256x512xf32>
      %logistic3A_21 = math.exp %logistic3A : vector<256x512xf32>
      %logistic3A_22 = arith.constant 1.000000e+00 : f32
      %logistic3A_23 = vector.broadcast %logistic3A_22 : f32 to vector<256x512xf32>
      %logistic3A_24 = arith.addf %logistic3A_23, %logistic3A_21 : vector<256x512xf32>
      %logistic3A_25 = arith.divf %logistic3A_23, %logistic3A_24 : vector<256x512xf32>
      %mul3A = arith.mulf %dot_general3A_12, %logistic3A_25 : vector<256x512xf32>
      %mul3A_26 = arith.mulf %mul3A, %dot_general3A_20 : vector<256x512xf32>
      %convert_element_type3A_27 = arith.truncf %mul3A_26 : vector<256x512xf32> to vector<256x512xbf16>
      %get3A_28 = arith.constant 0 : index
      %get3A_29 = arith.constant 0 : index
      %get3A_30 = arith.constant 0 : index
      %get3A_31 = vector.load %arg5[%get3A_28, %get3A_29, %get3A_30] : memref<1x1024x512xbf16, #tpu.memory_space<vmem>>, vector<1x1024x512xbf16>
      %get3A_32 = vector.shape_cast %get3A_31 : vector<1x1024x512xbf16> to vector<1024x512xbf16>
      %transpose3A_33 = tpu.transpose %get3A_32, [1, 0] : vector<1024x512xbf16> -> vector<512x1024xbf16>
      %dot_general3A_34 = arith.constant dense<0.000000e+00> : vector<256x1024xf32>
      %dot_general3A_35 = tpu.matmul %convert_element_type3A_27, %transpose3A_33, %dot_general3A_34 {dimension_numbers = #tpu.dot_dimension_numbers<[1], [0], [0], [1], [0, 0, 1, 1], [], []>, transpose_lhs_hint = false} : vector<256x512xbf16>, vector<512x1024xbf16>, vector<256x1024xf32> -> vector<256x1024xf32>
      %swap3A = arith.constant 0 : index
      %swap3A_36 = arith.constant 0 : index
      %swap3A_37 = vector.load %arg6[%swap3A, %swap3A_36] : memref<256x1024xf32, #tpu.memory_space<vmem>>, vector<256x1024xf32>
      tpu.vector_store %arg6[%swap3A, %swap3A_36], %dot_general3A_35 {strides = array<i32>} : memref<256x1024xf32, #tpu.memory_space<vmem>>, vector<256x1024xf32>,
    } else {
    }
    return
  }
  func.func @transform_0(%arg0: i32, %arg1: memref<24xi32, #tpu.memory_space<smem>>) -> (i32, i32) {
    %c0_i32 = arith.constant 0 : i32
    %c0_i32_0 = arith.constant 0 : i32
    return %arg0, %c0_i32 : i32, i32
  }
  func.func @transform_1(%arg0: i32, %arg1: memref<24xi32, #tpu.memory_space<smem>>) -> (i32, i32, i32) {
    %get3A = arith.index_cast %arg0 : i32 to index
    %get3A_0 = memref.load %arg1[%get3A] : memref<24xi32, #tpu.memory_space<smem>>
    %min3A = arith.constant 7 : i32
    %min3A_1 = arith.minsi %get3A_0, %min3A : i32
    %c0_i32 = arith.constant 0 : i32
    %c0_i32_2 = arith.constant 0 : i32
    %c0_i32_3 = arith.constant 0 : i32
    return %min3A_1, %c0_i32, %c0_i32_2 : i32, i32, i32
  }
  func.func @transform_2(%arg0: i32, %arg1: memref<24xi32, #tpu.memory_space<smem>>) -> (i32, i32, i32) {
    %get3A = arith.index_cast %arg0 : i32 to index
    %get3A_0 = memref.load %arg1[%get3A] : memref<24xi32, #tpu.memory_space<smem>>
    %min3A = arith.constant 7 : i32
    %min3A_1 = arith.minsi %get3A_0, %min3A : i32
    %c0_i32 = arith.constant 0 : i32
    %c0_i32_2 = arith.constant 0 : i32
    %c0_i32_3 = arith.constant 0 : i32
    return %min3A_1, %c0_i32, %c0_i32_2 : i32, i32, i32
  }
  func.func @transform_3(%arg0: i32, %arg1: memref<24xi32, #tpu.memory_space<smem>>) -> (i32, i32, i32) {
    %get3A = arith.index_cast %arg0 : i32 to index
    %get3A_0 = memref.load %arg1[%get3A] : memref<24xi32, #tpu.memory_space<smem>>
    %min3A = arith.constant 7 : i32
    %min3A_1 = arith.minsi %get3A_0, %min3A : i32
    %c0_i32 = arith.constant 0 : i32
    %c0_i32_2 = arith.constant 0 : i32
    %c0_i32_3 = arith.constant 0 : i32
    return %min3A_1, %c0_i32, %c0_i32_2 : i32, i32, i32
  }
  func.func @transform_4(%arg0: i32, %arg1: memref<24xi32, #tpu.memory_space<smem>>) -> (i32, i32) {
    %c0_i32 = arith.constant 0 : i32
    %c0_i32_0 = arith.constant 0 : i32
    return %arg0, %c0_i32 : i32, i32
  }
}

module attributes {stable_mosaic.version = 14 : i64} {
  func.func @_ffn_body(%arg0: i32, %arg1: memref<512x1024xf32, #tpu.memory_space<vmem>>, %arg2: memref<1x512x1024xbf16, #tpu.memory_space<vmem>>, %arg3: memref<1x512x1024xbf16, #tpu.memory_space<vmem>>, %arg4: memref<1x1024x512xbf16, #tpu.memory_space<vmem>>, %arg5: memref<512x1024xf32, #tpu.memory_space<vmem>>) attributes {dimension_semantics = [#tpu.dimension_semantics<arbitrary>], iteration_bounds = array<i64: 4>, scalar_prefetch = 0 : i64, scratch_operands = 0 : i64, tpu.core_type = #tpu.core_type<tc>, window_params = [{transform_indices = @transform_0, window_bounds = array<i64: 512, 1024>}, {pipeline_mode = #tpu.pipeline_mode<synchronous>, transform_indices = @transform_1, window_bounds = array<i64: 1, 512, 1024>}, {pipeline_mode = #tpu.pipeline_mode<synchronous>, transform_indices = @transform_2, window_bounds = array<i64: 1, 512, 1024>}, {pipeline_mode = #tpu.pipeline_mode<synchronous>, transform_indices = @transform_3, window_bounds = array<i64: 1, 1024, 512>}, {transform_indices = @transform_4, window_bounds = array<i64: 512, 1024>}]} {
    %get3A = arith.constant 0 : index
    %get3A_0 = arith.constant 0 : index
    %get3A_1 = vector.load %arg1[%get3A, %get3A_0] : memref<512x1024xf32, #tpu.memory_space<vmem>>, vector<512x1024xf32>
    %convert_element_type3A = arith.truncf %get3A_1 : vector<512x1024xf32> to vector<512x1024xbf16>
    %get3A_2 = arith.constant 0 : index
    %get3A_3 = arith.constant 0 : index
    %get3A_4 = arith.constant 0 : index
    %get3A_5 = vector.load %arg2[%get3A_2, %get3A_3, %get3A_4] : memref<1x512x1024xbf16, #tpu.memory_space<vmem>>, vector<1x512x1024xbf16>
    %get3A_6 = vector.shape_cast %get3A_5 : vector<1x512x1024xbf16> to vector<512x1024xbf16>
    %transpose3A = tpu.transpose %get3A_6, [1, 0] : vector<512x1024xbf16> -> vector<1024x512xbf16>
    %dot_general3A = arith.constant dense<0.000000e+00> : vector<512x512xf32>
    %dot_general3A_7 = tpu.matmul %convert_element_type3A, %transpose3A, %dot_general3A {dimension_numbers = #tpu.dot_dimension_numbers<[1], [0], [0], [1], [0, 0, 1, 1], [], []>, transpose_lhs_hint = false} : vector<512x1024xbf16>, vector<1024x512xbf16>, vector<512x512xf32> -> vector<512x512xf32>
    %get3A_8 = arith.constant 0 : index
    %get3A_9 = arith.constant 0 : index
    %get3A_10 = arith.constant 0 : index
    %get3A_11 = vector.load %arg3[%get3A_8, %get3A_9, %get3A_10] : memref<1x512x1024xbf16, #tpu.memory_space<vmem>>, vector<1x512x1024xbf16>
    %get3A_12 = vector.shape_cast %get3A_11 : vector<1x512x1024xbf16> to vector<512x1024xbf16>
    %transpose3A_13 = tpu.transpose %get3A_12, [1, 0] : vector<512x1024xbf16> -> vector<1024x512xbf16>
    %dot_general3A_14 = arith.constant dense<0.000000e+00> : vector<512x512xf32>
    %dot_general3A_15 = tpu.matmul %convert_element_type3A, %transpose3A_13, %dot_general3A_14 {dimension_numbers = #tpu.dot_dimension_numbers<[1], [0], [0], [1], [0, 0, 1, 1], [], []>, transpose_lhs_hint = false} : vector<512x1024xbf16>, vector<1024x512xbf16>, vector<512x512xf32> -> vector<512x512xf32>
    %logistic3A = arith.negf %dot_general3A_7 : vector<512x512xf32>
    %logistic3A_16 = math.exp %logistic3A : vector<512x512xf32>
    %logistic3A_17 = arith.constant 1.000000e+00 : f32
    %logistic3A_18 = vector.broadcast %logistic3A_17 : f32 to vector<512x512xf32>
    %logistic3A_19 = arith.addf %logistic3A_18, %logistic3A_16 : vector<512x512xf32>
    %logistic3A_20 = arith.divf %logistic3A_18, %logistic3A_19 : vector<512x512xf32>
    %mul3A = arith.mulf %dot_general3A_7, %logistic3A_20 : vector<512x512xf32>
    %mul3A_21 = arith.mulf %mul3A, %dot_general3A_15 : vector<512x512xf32>
    %convert_element_type3A_22 = arith.truncf %mul3A_21 : vector<512x512xf32> to vector<512x512xbf16>
    %get3A_23 = arith.constant 0 : index
    %get3A_24 = arith.constant 0 : index
    %get3A_25 = arith.constant 0 : index
    %get3A_26 = vector.load %arg4[%get3A_23, %get3A_24, %get3A_25] : memref<1x1024x512xbf16, #tpu.memory_space<vmem>>, vector<1x1024x512xbf16>
    %get3A_27 = vector.shape_cast %get3A_26 : vector<1x1024x512xbf16> to vector<1024x512xbf16>
    %transpose3A_28 = tpu.transpose %get3A_27, [1, 0] : vector<1024x512xbf16> -> vector<512x1024xbf16>
    %dot_general3A_29 = arith.constant dense<0.000000e+00> : vector<512x1024xf32>
    %dot_general3A_30 = tpu.matmul %convert_element_type3A_22, %transpose3A_28, %dot_general3A_29 {dimension_numbers = #tpu.dot_dimension_numbers<[1], [0], [0], [1], [0, 0, 1, 1], [], []>, transpose_lhs_hint = false} : vector<512x512xbf16>, vector<512x1024xbf16>, vector<512x1024xf32> -> vector<512x1024xf32>
    %swap3A = arith.constant 0 : index
    %swap3A_31 = arith.constant 0 : index
    %swap3A_32 = vector.load %arg5[%swap3A, %swap3A_31] : memref<512x1024xf32, #tpu.memory_space<vmem>>, vector<512x1024xf32>
    tpu.vector_store %arg5[%swap3A, %swap3A_31], %dot_general3A_30 {strides = array<i32>} : memref<512x1024xf32, #tpu.memory_space<vmem>>, vector<512x1024xf32>,
    return
  }
  func.func @transform_0(%arg0: i32) -> (i32, i32) {
    %c0_i32 = arith.constant 0 : i32
    %c0_i32_0 = arith.constant 0 : i32
    return %arg0, %c0_i32 : i32, i32
  }
  func.func @transform_1(%arg0: i32) -> (i32, i32, i32) {
    %c0_i32 = arith.constant 0 : i32
    %c0_i32_0 = arith.constant 0 : i32
    %c0_i32_1 = arith.constant 0 : i32
    %c0_i32_2 = arith.constant 0 : i32
    return %c0_i32, %c0_i32_0, %c0_i32_1 : i32, i32, i32
  }
  func.func @transform_2(%arg0: i32) -> (i32, i32, i32) {
    %c0_i32 = arith.constant 0 : i32
    %c0_i32_0 = arith.constant 0 : i32
    %c0_i32_1 = arith.constant 0 : i32
    %c0_i32_2 = arith.constant 0 : i32
    return %c0_i32, %c0_i32_0, %c0_i32_1 : i32, i32, i32
  }
  func.func @transform_3(%arg0: i32) -> (i32, i32, i32) {
    %c0_i32 = arith.constant 0 : i32
    %c0_i32_0 = arith.constant 0 : i32
    %c0_i32_1 = arith.constant 0 : i32
    %c0_i32_2 = arith.constant 0 : i32
    return %c0_i32, %c0_i32_0, %c0_i32_1 : i32, i32, i32
  }
  func.func @transform_4(%arg0: i32) -> (i32, i32) {
    %c0_i32 = arith.constant 0 : i32
    %c0_i32_0 = arith.constant 0 : i32
    return %arg0, %c0_i32 : i32, i32
  }
}

module attributes {stable_mosaic.version = 14 : i64} {
  func.func @_combine_kernel(%arg0: i32, %arg1: memref<512x8xf32, #tpu.memory_space<vmem>>, %arg2: memref<512x1024xf32, #tpu.memory_space<vmem>>, %arg3: memref<512x1024xf32, #tpu.memory_space<vmem>>, %arg4: memref<512x1024xf32, #tpu.memory_space<vmem>>, %arg5: memref<512x1024xf32, #tpu.memory_space<vmem>>) attributes {dimension_semantics = [#tpu.dimension_semantics<arbitrary>], iteration_bounds = array<i64: 4>, scalar_prefetch = 0 : i64, scratch_operands = 0 : i64, tpu.core_type = #tpu.core_type<tc>, window_params = [{transform_indices = @transform_0, window_bounds = array<i64: 512, 8>}, {transform_indices = @transform_1, window_bounds = array<i64: 512, 1024>}, {transform_indices = @transform_2, window_bounds = array<i64: 512, 1024>}, {transform_indices = @transform_3, window_bounds = array<i64: 512, 1024>}, {transform_indices = @transform_4, window_bounds = array<i64: 512, 1024>}]} {
    %iota3A = tpu.iota {dimensions = array<i32: 1>} : vector<512x8xi32>
    %get3A = arith.constant 0 : index
    %get3A_0 = arith.constant 0 : index
    %get3A_1 = vector.load %arg1[%get3A, %get3A_0] : memref<512x8xf32, #tpu.memory_space<vmem>>, vector<512x8xf32>
    %eq3A = arith.constant 0 : i32
    %eq3A_2 = vector.broadcast %eq3A : i32 to vector<512x8xi32>
    %eq3A_3 = arith.cmpi eq, %iota3A, %eq3A_2 : vector<512x8xi32>
    %jit3A = arith.constant 0.000000e+00 : f32
    %broadcast_in_dim3A = vector.broadcast %jit3A : f32 to vector<512x8xf32>
    %select_n3A = arith.select %eq3A_3, %get3A_1, %broadcast_in_dim3A : vector<512x8xi1>, vector<512x8xf32>
    %reduce_sum3A = arith.constant dense<0.000000e+00> : vector<512xf32>
    %reduce_sum3A_4 = vector.multi_reduction <add>, %select_n3A, %reduce_sum3A [1] : vector<512x8xf32> to vector<512xf32>
    %broadcast_in_dim3A_5 = vector.shape_cast %reduce_sum3A_4 : vector<512xf32> to vector<512x1xf32>
    %eq3A_6 = arith.constant 1 : i32
    %eq3A_7 = vector.broadcast %eq3A_6 : i32 to vector<512x8xi32>
    %eq3A_8 = arith.cmpi eq, %iota3A, %eq3A_7 : vector<512x8xi32>
    %jit3A_9 = arith.constant 0.000000e+00 : f32
    %broadcast_in_dim3A_10 = vector.broadcast %jit3A_9 : f32 to vector<512x8xf32>
    %select_n3A_11 = arith.select %eq3A_8, %get3A_1, %broadcast_in_dim3A_10 : vector<512x8xi1>, vector<512x8xf32>
    %reduce_sum3A_12 = arith.constant dense<0.000000e+00> : vector<512xf32>
    %reduce_sum3A_13 = vector.multi_reduction <add>, %select_n3A_11, %reduce_sum3A_12 [1] : vector<512x8xf32> to vector<512xf32>
    %broadcast_in_dim3A_14 = vector.shape_cast %reduce_sum3A_13 : vector<512xf32> to vector<512x1xf32>
    %get3A_15 = arith.constant 0 : index
    %get3A_16 = arith.constant 0 : index
    %get3A_17 = vector.load %arg2[%get3A_15, %get3A_16] : memref<512x1024xf32, #tpu.memory_space<vmem>>, vector<512x1024xf32>
    %mul3A = vector.broadcast %broadcast_in_dim3A_5 : vector<512x1xf32> to vector<512x1024xf32>
    %mul3A_18 = arith.mulf %mul3A, %get3A_17 : vector<512x1024xf32>
    %get3A_19 = arith.constant 0 : index
    %get3A_20 = arith.constant 0 : index
    %get3A_21 = vector.load %arg3[%get3A_19, %get3A_20] : memref<512x1024xf32, #tpu.memory_space<vmem>>, vector<512x1024xf32>
    %mul3A_22 = vector.broadcast %broadcast_in_dim3A_14 : vector<512x1xf32> to vector<512x1024xf32>
    %mul3A_23 = arith.mulf %mul3A_22, %get3A_21 : vector<512x1024xf32>
    %add3A = arith.addf %mul3A_18, %mul3A_23 : vector<512x1024xf32>
    %get3A_24 = arith.constant 0 : index
    %get3A_25 = arith.constant 0 : index
    %get3A_26 = vector.load %arg4[%get3A_24, %get3A_25] : memref<512x1024xf32, #tpu.memory_space<vmem>>, vector<512x1024xf32>
    %add3A_27 = arith.addf %add3A, %get3A_26 : vector<512x1024xf32>
    %swap3A = arith.constant 0 : index
    %swap3A_28 = arith.constant 0 : index
    %swap3A_29 = vector.load %arg5[%swap3A, %swap3A_28] : memref<512x1024xf32, #tpu.memory_space<vmem>>, vector<512x1024xf32>
    tpu.vector_store %arg5[%swap3A, %swap3A_28], %add3A_27 {strides = array<i32>} : memref<512x1024xf32, #tpu.memory_space<vmem>>, vector<512x1024xf32>,
    return
  }
  func.func @transform_0(%arg0: i32) -> (i32, i32) {
    %c0_i32 = arith.constant 0 : i32
    %c0_i32_0 = arith.constant 0 : i32
    return %arg0, %c0_i32 : i32, i32
  }
  func.func @transform_1(%arg0: i32) -> (i32, i32) {
    %c0_i32 = arith.constant 0 : i32
    %c0_i32_0 = arith.constant 0 : i32
    return %arg0, %c0_i32 : i32, i32
  }
  func.func @transform_2(%arg0: i32) -> (i32, i32) {
    %c0_i32 = arith.constant 0 : i32
    %c0_i32_0 = arith.constant 0 : i32
    return %arg0, %c0_i32 : i32, i32
  }
  func.func @transform_3(%arg0: i32) -> (i32, i32) {
    %c0_i32 = arith.constant 0 : i32
    %c0_i32_0 = arith.constant 0 : i32
    return %arg0, %c0_i32 : i32, i32
  }
  func.func @transform_4(%arg0: i32) -> (i32, i32) {
    %c0_i32 = arith.constant 0 : i32
    %c0_i32_0 = arith.constant 0 : i32
    return %arg0, %c0_i32 : i32, i32
  }
}

</mosaic_0001>

<sc_bundles>
// kernel: kernel.12.cloned.1.call-start
scs
__scs_entry_jumppad:
0x0: {  	(pc) =	sbr.rel $0x88, $3  }
0x1: {  	(tag) =	ssettag $0x0;
	lr =	simm.s32 $0x1  }
0x2: {  	[smem:$0x3F99] =	sst lr;
	_ =	strace $0xD0000000  }
0x3: {  	_ = 	snop  }
0x4: {  	_ = 	snop  }
0x5: {  	_ = 	snop  }
0x6: {  	_ = 	snop  }
0x7: {  	_ = 	snop  }
__scs_overlays_trampoline_lowered:
0x8: {  	[smem:$0x3FA8] =	sst s0  }
0x9: {  	[smem:$0x3FA9] =	sst s1  }
0xa: {  	[smem:$0x3FAA] =	sst s2  }
0xb: {  	[smem:$0x3FAB] =	sst s3  }
0xc: {  	[smem:$0x3FAC] =	sst s4  }
0xd: {  	[smem:$0x3FAD] =	sst s5  }
0xe: {  	[smem:$0x3FAE] =	sst s6  }
0xf: {  	[smem:$0x3FAF] =	sst s7  }
0x10: {  	[smem:$0x3FB0] =	sst s8  }
0x11: {  	[smem:$0x3FB1] =	sst s9;
	s0 =	simm.s32 @!p0 $0x0  }
0x12: {  	s1 =	sld [smem:$0x3F97];
	s0 =	simm.s32 @p0 $0x1  }
0x13: {  	[smem:$0x3FB2] =	sst s0;
	s0 =	simm.s32 @!p1 $0x0  }
0x14: {  	s2 =	sld [smem:$0x3F96];
	s0 =	simm.s32 @p1 $0x1  }
0x15: {  	[smem:$0x3FB3] =	sst s0;
	s0 =	simm.s32 @!p2 $0x0  }
0x16: {  	s3 =	sld [smem:$0x3FDB];
	s0 =	simm.s32 @p2 $0x1  }
0x17: {  	s4 =	simm.s32 $0x1BF5;
	[smem:$0x3FB5] =	sst s0  }
0x18: {  	s0 =	sld [smem:$0x3F98];
	_ =	swait.ge [sflag:s4], $0x0  }
0x19: {  	s7 =	sld [smem:$0x3F99]  }
0x1a: {  	s8 =	sadd.s32 $0xFFFFE003, lr  }
0x1b: {  	s9 =	sadd.s32 $0xFFFFFEF7, lr;
	s5 =	simm.s32 $0xFFFFFFFF;
	p2 =	slt.u32 s8, $0xFFFFF086  }
0x1c: {  	p1 =	slt.u32 s9, $0xF7A;
	s5 =	simm.s32 @!p2 $0x0  }
0x1d: {  	s5 =	simm.s32 @p1 $0x1;
	p0 =	seq.s32 s7, s2  }
0x1e: {  	s7 =	smul.u32 @!p0 $0xF7A, s2;
	p2 =	seq.s32 @!p0 s5, $0x0  }
0x1f: {  	s9 =	smul.u32 $0xF7A, s1;
	s8 =	simm.s32 @!p0 $0x1BF5;
	p2 =	por !p2, p0  }
0x20: {  	[sflag:s8] =	ssyncset.s32 @!p0 $0xFFFFF086;
	s6 =	sadd.s32 @!p0 s3, s7;
	s7 =	simm.s32 @!p0 $0x108  }
0x21: {  	s3 =	sadd.s32 s3, s9;
	s6 =	sadd.s32 @!p0 $0x88, s6;
	s7 =	simm.s32 @p2 $0x1082  }
0x22: {  	[simem:s7], [sflag:s8] =	dma.local @!p0 [hbm:s6], $0xF7A  }
0x23: {  	s9 =	sor.u32 $0xD0000000, s2;
	s6 =	simm.s32 $0x108;
	_ =	swait.ge @!p0 [sflag:s8], $0x0  }
0x24: {  	s3 =	sadd.s32 $0x88, s3;
	s6 =	simm.s32 @!p1 $0x1082;
	[sflag:s4] =	ssyncset.s32 $0xFFFFF086  }
0x25: {  	[simem:s6], [sflag:s4] =	dma.local [hbm:s3], $0xF7A  }
0x26: {  	[smem:$0x3F99] =	sst s1;
	(tag) =	ssettag s2;
	_ =	strace s9  }
0x27: {  	s1 =	sld [smem:$0x3FA9]  }
0x28: {  	s2 =	sld [smem:$0x3FAA]  }
0x29: {  	s4 =	sld [smem:$0x3FAC]  }
0x2a: {  	p0 =	seq.s32 s5, $0x0;
	s5 =	sld [smem:$0x3FAD]  }
0x2b: {  	s6 =	sld [smem:$0x3FAE]  }
0x2c: {  	s7 =	sld [smem:$0x3FAF]  }
0x2d: {  	s3 =	simm.s32 $0x108;
	s8 =	sld [smem:$0x3FB0]  }
0x2e: {  	s3 =	simm.s32 @!p0 $0x1082;
	s9 =	sld [smem:$0x3FB1]  }
0x2f: {  	lr =	sadd.s32 s0, s3;
	s0 =	sld [smem:$0x3FA8]  }
0x30: {  	s3 =	sld [smem:$0x3FAB]  }
0x31: {  	[smem:$0x3FB4] =	sst s10  }
0x32: {  	s10 =	sld [smem:$0x3FB2];
	_ =	sdelay $0x3  }
0x33: {  	p0 =	seq.s32 s10, $0x1;
	s10 =	sld [smem:$0x3FB4];
	_ =	sdelay $0x3  }
0x34: {  	[smem:$0x3FB4] =	sst s10  }
0x35: {  	s10 =	sld [smem:$0x3FB3];
	_ =	sdelay $0x3  }
0x36: {  	p1 =	seq.s32 s10, $0x1;
	s10 =	sld [smem:$0x3FB4];
	_ =	sdelay $0x3  }
0x37: {  	[smem:$0x3FB4] =	sst s10  }
0x38: {  	s10 =	sld [smem:$0x3FB5]  }
0x39: {  	_ = 	snop;
	(pc) =	sbr.ind lr, $3  }
0x3a: {  	_ = 	snop  }
0x3b: {  	_ = 	snop  }
0x3c: {  	p2 =	seq.s32 s10, $0x1;
	s10 =	sld [smem:$0x3FB4]  }
0x3d: {  	_ =	shalt  }
0x3e: {  	_ =	shalt  }
0x3f: {  	_ =	shalt  }
0x40: {  	_ =	shalt  }
0x41: {  	_ =	shalt  }
0x42: {  	_ =	shalt  }
0x43: {  	_ =	shalt  }
0x44: {  	_ =	shalt  }
0x45: {  	_ =	shalt  }
0x46: {  	_ =	shalt  }
0x47: {  	_ =	shalt  }
0x48: {  	_ =	shalt  }
0x49: {  	_ =	shalt  }
0x4a: {  	_ =	shalt  }
0x4b: {  	_ =	shalt  }
0x4c: {  	_ =	shalt  }
0x4d: {  	_ =	shalt  }
0x4e: {  	_ =	shalt  }
0x4f: {  	_ =	shalt  }
0x50: {  	_ =	shalt  }
0x51: {  	_ =	shalt  }
0x52: {  	_ =	shalt  }
0x53: {  	_ =	shalt  }
0x54: {  	_ =	shalt  }
0x55: {  	_ =	shalt  }
0x56: {  	_ =	shalt  }
0x57: {  	_ =	shalt  }
0x58: {  	_ =	shalt  }
0x59: {  	_ =	shalt  }
0x5a: {  	_ =	shalt  }
0x5b: {  	_ =	shalt  }
0x5c: {  	_ =	shalt  }
0x5d: {  	_ =	shalt  }
0x5e: {  	_ =	shalt  }
0x5f: {  	_ =	shalt  }
0x60: {  	_ =	shalt  }
0x61: {  	_ =	shalt  }
0x62: {  	_ =	shalt  }
0x63: {  	_ =	shalt  }
0x64: {  	_ =	shalt  }
0x65: {  	_ =	shalt  }
0x66: {  	_ =	shalt  }
0x67: {  	_ =	shalt  }
0x68: {  	_ =	shalt  }
0x69: {  	_ =	shalt  }
0x6a: {  	_ =	shalt  }
0x6b: {  	_ =	shalt  }
0x6c: {  	_ =	shalt  }
0x6d: {  	_ =	shalt  }
0x6e: {  	_ =	shalt  }
0x6f: {  	_ =	shalt  }
0x70: {  	_ =	shalt  }
0x71: {  	_ =	shalt  }
0x72: {  	_ =	shalt  }
0x73: {  	_ =	shalt  }
0x74: {  	_ =	shalt  }
0x75: {  	_ =	shalt  }
0x76: {  	_ =	shalt  }
0x77: {  	_ =	shalt  }
0x78: {  	_ =	shalt  }
0x79: {  	_ =	shalt  }
0x7a: {  	_ =	shalt  }
0x7b: {  	_ =	shalt  }
0x7c: {  	_ =	shalt  }
0x7d: {  	_ =	shalt  }
0x7e: {  	_ =	shalt  }
0x7f: {  	_ =	shalt  }
0x80: {  	_ =	shalt  }
0x81: {  	_ =	shalt  }
0x82: {  	_ =	shalt  }
0x83: {  	_ =	shalt  }
0x84: {  	_ =	shalt  }
0x85: {  	_ =	shalt  }
0x86: {  	_ =	shalt  }
0x87: {  	_ =	shalt  }
.Lfunc_end0:
.L_simem_size_0:
called_computation.1_lowered:
.L_overlay_start_0:
0x88: {  	s2 =	sld [smem:$0x3FD9]  }
0x89: {  	s3 =	sld [smem:$0x3FFE];
	_ =	sdelay $0x1  }
0x8a: {  	s1 =	srdreg.scid  }
0x8b: {  	s0 =	sand.u32 $0x1, s1  }
0x8c: {  	s17 =	sshll.u32 s0, $0xA;
	s2 =	sadd.s32 s3, s2  }
0x8d: {  	s2 =	sadd.s32 s2, s17  }
0x8e: {  	[smem:$0x3FC0] =	sst s2  }
0x8f: {  	_ = 	snop  }
0x90: {  	s2 =	sld [smem:$0x3FC9];
	(tm) =	ssettm $0x1  }
0x91: {  	s18 =	sld [smem:$0x3FFB];
	_ =	sdelay $0x3  }
0x92: {  	_ =	strace s18  }
0x93: {  	s3 =	sld [smem:$0x3FFC];
	_ =	sdelay $0x3  }
0x94: {  	_ =	strace s3  }
0x95: {  	s3 =	sld [smem:$0x3FFD];
	_ =	sdelay $0x3  }
0x96: {  	_ =	strace s3  }
0x97: {  	_ =	strace $0x8FFFFFFF  }
0x98: {  	s19 =	sld [smem:$0x3FDB];
	_ =	sdelay $0x1  }
0x99: {  	s4 =	simm.s32 $_scs_section_size  }
0x9a: {  	s5 =	simm.s32 $_size__tile_overlayer_lowered;
	s6 =	simm.s32 $_tile_overlayer_lowered  }
0x9b: {  	s22 =	simm.s32 $0x1BFF;
	s21 =	sshll.u32 s6, $0x1;
	s3 =	sadd.s32 s4, s19  }
0x9c: {  	s7 =	simm.s32 $0x0;
	s20 =	sshll.u32 s5, $0x1;
	s5 =	sadd.s32 s21, s3  }
0x9d: {  	[timem:s7], [sflag:s22] =	dma.local [hbm:s5], s20  }
0x9e: {  	_ =	swait.ge [sflag:s22], s20  }
0x9f: {  	s4 =	ssub.s32 $0x0, s20;
	[sflag:s22] =	ssyncset.done $0x0  }
0xa0: {  	[sflag:s22] =	ssyncadd.s32 s4;
	_ =	sdelay $0x1  }
0xa1: {  	s23 =	simm.s32 $0x1B8B  }
0xa2: {  	_ =	swait.ge [sflag:s23], $0x1  }
0xa3: {  	[sflag:s23] =	ssyncset.done $0x0  }
0xa4: {  	s25 =	simm.s32 $0x1B8E;
	s24 =	sld [smem:$0x3FFE];
	[sflag:s23] =	ssyncadd.s32 $0xFFFFFFFF  }
0xa5: {  	s26 =	simm.s32 $execute0_lowered;
	[smem:$0x3FD2] =	sst s25  }
0xa6: {  	s5 =	sshll.u32 s26, $0x1;
	_ =	strace $0x80000049;
	[dreg:$0x1] =	wrdreg $0xFFFFFFFF  }
0xa7: {  	s28 =	simm.s32 $_size_execute0_lowered;
	s3 =	sadd.s32 s3, s5;
	[dreg:$0x0] =	wrdreg $0x0  }
0xa8: {  	s5 =	sshll.u32 s28, $0x1;
	[dreg:$0x2] =	wrdreg s3  }
0xa9: {  	[dreg:$0x3] =	wrdreg s5  }
0xaa: {  	[dreg:$0x4] =	wrdreg $0xC0  }
0xab: {  	_ =	task [dreg:s7], $0x5FFFF  }
0xac: {  	[dreg:$0x1] =	wrdreg $0xFFFFFFFF  }
0xad: {  	[dreg:$0x0] =	wrdreg $0x60  }
0xae: {  	[dreg:$0x2] =	wrdreg s2  }
0xaf: {  	[dreg:$0x3] =	wrdreg s24  }
0xb0: {  	[dreg:$0x4] =	wrdreg $0x9  }
0xb1: {  	_ =	task.clear_ibuf [dreg:s7], $0x5FFFF;
	_ =	strace $0x90000049  }
0xb2: {  	s29 =	simm.s32 $0x9;
	_ =	strace $0x8000004B  }
0xb3: {  	_ =	swait.ge [sflag:s29], $0x1  }
0xb4: {  	[sflag:s29] =	ssyncadd.s32 $0xFFFFFFFF  }
0xb5: {  	_ =	strace $0x9000004B  }
0xb6: {  	_ =	sfence  }
0xb7: {  	s30 =	sld [smem:$0x0];
	_ =	sdelay $0x2  }
0xb8: {  	s31 =	sshll.u32 s1, $0xD;
	s1 =	sshrl.u32 s1, $0x2  }
0xb9: {  	s3 =	sand.u32 $0x4000, s31;
	s1 =	sadd.s32 s1, s30  }
0xba: {  	s0 =	sor.u32 s3, s0;
	s1 =	sshll.u32 s1, $0x11  }
0xbb: {  	s0 =	sor.u32 s1, s0  }
0xbc: {  	s0 =	sadd.s32 $0x8F2B, s0  }
0xbd: {  	[sflag:s0] =	ssyncadd.remote.s32 $0x1  }
0xbe: {  	_ =	sfence.sel $0xFFFF  }
0xbf: {  	[dreg:$0x0] =	wrdreg $0xFFFFFFFF;
	(pc) =	sbr.abs _section_cstart, $3  }
0xc0: {  	[dreg:$0x1] =	wrdreg $0xFFFFFFFF  }
0xc1: {  	_ =	task.clear_ibuf [dreg:s7], $0x2FFFF;
	_ =	strace $0x9FFFFFFF  }
0xc2: {  	(tm) =	ssettm $0x7FFFFFFF  }
0xc3: {  	_ =	shalt  }
tec
execute0_lowered:
.L_overlay_start_1:
0x0: {  	(tag) =	ssettag $0x1  }
0x1: {  	s2 =	rddreg [dreg:$0x0];
	s0 =	srdreg.scid  }
0x2: {  	s3 =	stileid.u32;
	s1 =	rddreg [dreg:$0x1];
	s8 =	simm.s32 $0x2  }
0x3: {  	s11 =	simm.s32 $0x1;
	s13 =	simm.s32 $0x900;
	s14 =	simm.s32 $0x1100  }
0x4: {  	s15 =	simm.s32 $0x1900;
	s16 =	simm.s32 $0x2100;
	s17 =	simm.s32 $0x2900  }
0x5: {  	s18 =	simm.s32 $0x3100;
	s19 =	simm.s32 $0x3900;
	s20 =	simm.s32 $0x4100  }
0x6: {  	s21 =	simm.s32 $0x4900;
	s22 =	simm.s32 $0x5100;
	s23 =	simm.s32 $0x5900  }
0x7: {  	s24 =	simm.s32 $0x6100;
	s25 =	simm.s32 $0x6900;
	s28 =	simm.s32 $0x7900  }
0x8: {  	s29 =	simm.s32 $0x8100;
	s30 =	simm.s32 $0x8900;
	s31 =	simm.s32 $0x9100  }
0x9: {  	s10 =	simm.s32 $0xA900;
	s0 =	sand.u32 $0x1, s0;
	s4 =	sshll.u32 s3, $0x1  }
0xa: {  	s9 =	simm.s32 $0xB100;
	s3 =	simm.s32 $0x0;
	s4 =	sor.u32 s0, s4  }
0xb: {  	[smem:$0x7FF] =	sst s3;
	s0 =	ssub.s32 $0x2, s0;
	s5 =	smul.u32 $0x18, s4  }
0xc: {  	_ =	strace $0x8000004A;
	s6 =	smul.u32 $0x30000, s4;
	s7 =	sshrl.u32 s0, $0x1  }
0xd: {  	s4 =	smul.u32 $0x6000, s4;
	s0 =	ssub.s32 s0, s7;
	s5 =	sadd.s32 s5, s1  }
0xe: {  	s1 =	sadd.s32 $0x3200, s1;
	s6 =	sshrl.u32 s6, $0x3;
	s7 =	smax.u32 s0, $0x1  }
0xf: {  	s5 =	sadd.s32 $0x2E00, s5;
	s26 =	sadd.s32 s1, s4;
	s1 =	sadd.s32 s1, s6  }
0x10: {  	v2 =	vlaneseq.u32;
	s4 =	sadd.s32 $0x100, s2;
	s6 =	sadd.s32 $0x300, s2;
	[dreg:$0x3] =	wrdreg s5  }
0x11: {  	vm0 =	vmmov $0xffff;
	v1 =	vshrl.u32 v2, $0x3;
	[dreg:$0x4] =	wrdreg s26;
	s1 =	sadd.s32 $0x3000, s1;
	s5 =	sadd.s32 $0x200, s2  }
0x12: {  	v0 =	vand.u32 $0x7, v2;
	v2 =	vor.u32 $0x8, v2;
	v1 =	vmul.u32 $0x8, v1;
	s26 =	simm.s32 $0x7100;
	[dreg:$0x5] =	wrdreg s1;
	s1 =	simm.s32 $0x9900  }
.LBB2_1:
0x13: {  	s12 =	rddreg [dreg:$0x3]  }
0x14: {  	[tilespmem:s3], [sflag:$0x2] =	stream.linear.gather [hbm4b:s12+s3], $0xC0, $0x38;
	[tilespmem:$0x18100] =	vst v63  }
0x15: {  	_ =	swait.ge [sflag:s8], $0xC0  }
0x16: {  	[sflag:s8] =	ssyncset.done $0x0  }
0x17: {  	[sflag:s8] =	ssyncadd.s32 $0xFFFFFF40  }
0x18: {  	v3 =	vld [tilespmem:$0x0];
	_ =	sdelay $0x4  }
0x19: {  	v4 =	vshll.u32 v3, $0x3  }
0x1a: {  	v3 =	vand.u32 $0x7, v3;
	v4 =	vand.u32 $0xFFFFFFC0, v4  }
0x1b: {  	v3 =	vor.u32 v3, v4  }
0x1c: {  	v4 =	vperm.xlane v3, v0;
	_ =	sdelay $0x1  }
0x1d: {  	v4 =	vadd.s32 v1, v4;
	_ =	sdelay $0x3  }
0x1e: {  	s0 =	simm.s32 $0x100  }
0x1f: {  	[tilespmem:s0], [sflag:$0x1] =	stream.indirect_vreg.gather [hbm4b:s2+s3], $0x80, v4, vm0, $0xb8;
	[tilespmem:$0x18100] =	vst v63  }
0x20: {  	v3 =	vperm.xlane v3, v2  }
0x21: {  	[tilespmem:s13], [sflag:$0x1] =	stream.indirect_vreg.gather [hbm4b:s4+s3], $0x80, v4, vm0, $0xb8;
	[tilespmem:$0x18100] =	vst v63  }
0x22: {  	v3 =	vadd.s32 v1, v3  }
0x23: {  	[tilespmem:s14], [sflag:$0x1] =	stream.indirect_vreg.gather [hbm4b:s5+s3], $0x80, v4, vm0, $0xb8;
	[tilespmem:$0x18100] =	vst v63  }
0x24: {  	_ = 	snop  }
0x25: {  	[tilespmem:s15], [sflag:$0x1] =	stream.indirect_vreg.gather [hbm4b:s6+s3], $0x80, v4, vm0, $0xb8;
	[tilespmem:$0x18100] =	vst v63  }
0x26: {  	_ = 	snop  }
0x27: {  	[tilespmem:s16], [sflag:$0x1] =	stream.indirect_vreg.gather [hbm4b:s2+s3], $0x80, v3, vm0, $0xb8;
	[tilespmem:$0x18100] =	vst v63  }
0x28: {  	_ = 	snop  }
0x29: {  	[tilespmem:s17], [sflag:$0x1] =	stream.indirect_vreg.gather [hbm4b:s4+s3], $0x80, v3, vm0, $0xb8;
	[tilespmem:$0x18100] =	vst v63  }
0x2a: {  	_ = 	snop  }
0x2b: {  	[tilespmem:s18], [sflag:$0x1] =	stream.indirect_vreg.gather [hbm4b:s5+s3], $0x80, v3, vm0, $0xb8;
	[tilespmem:$0x18100] =	vst v63  }
0x2c: {  	_ = 	snop  }
0x2d: {  	[tilespmem:s19], [sflag:$0x1] =	stream.indirect_vreg.gather [hbm4b:s6+s3], $0x80, v3, vm0, $0xb8;
	[tilespmem:$0x18100] =	vst v63  }
0x2e: {  	v3 =	vld [tilespmem:$0x10];
	_ =	sdelay $0x4  }
0x2f: {  	v53 =	vshll.u32 v3, $0x3  }
0x30: {  	v3 =	vand.u32 $0x7, v3;
	v4 =	vand.u32 $0xFFFFFFC0, v53  }
0x31: {  	v3 =	vor.u32 v3, v4  }
0x32: {  	v4 =	vperm.xlane v3, v0;
	_ =	sdelay $0x1  }
0x33: {  	v4 =	vadd.s32 v1, v4;
	_ =	sdelay $0x4  }
0x34: {  	[tilespmem:s20], [sflag:$0x1] =	stream.indirect_vreg.gather [hbm4b:s2+s3], $0x80, v4, vm0, $0xb8;
	[tilespmem:$0x18100] =	vst v63  }
0x35: {  	v3 =	vperm.xlane v3, v2  }
0x36: {  	[tilespmem:s21], [sflag:$0x1] =	stream.indirect_vreg.gather [hbm4b:s4+s3], $0x80, v4, vm0, $0xb8;
	[tilespmem:$0x18100] =	vst v63  }
0x37: {  	v3 =	vadd.s32 v1, v3  }
0x38: {  	[tilespmem:s22], [sflag:$0x1] =	stream.indirect_vreg.gather [hbm4b:s5+s3], $0x80, v4, vm0, $0xb8;
	[tilespmem:$0x18100] =	vst v63  }
0x39: {  	_ = 	snop  }
0x3a: {  	[tilespmem:s23], [sflag:$0x1] =	stream.indirect_vreg.gather [hbm4b:s6+s3], $0x80, v4, vm0, $0xb8;
	[tilespmem:$0x18100] =	vst v63  }
0x3b: {  	_ = 	snop  }
0x3c: {  	[tilespmem:s24], [sflag:$0x1] =	stream.indirect_vreg.gather [hbm4b:s2+s3], $0x80, v3, vm0, $0xb8;
	[tilespmem:$0x18100] =	vst v63  }
0x3d: {  	_ = 	snop  }
0x3e: {  	[tilespmem:s25], [sflag:$0x1] =	stream.indirect_vreg.gather [hbm4b:s4+s3], $0x80, v3, vm0, $0xb8;
	[tilespmem:$0x18100] =	vst v63  }
0x3f: {  	_ = 	snop  }
0x40: {  	[tilespmem:s26], [sflag:$0x1] =	stream.indirect_vreg.gather [hbm4b:s5+s3], $0x80, v3, vm0, $0xb8;
	[tilespmem:$0x18100] =	vst v63  }
0x41: {  	_ = 	snop  }
0x42: {  	[tilespmem:s28], [sflag:$0x1] =	stream.indirect_vreg.gather [hbm4b:s6+s3], $0x80, v3, vm0, $0xb8;
	[tilespmem:$0x18100] =	vst v63  }
0x43: {  	v3 =	vld [tilespmem:$0x20];
	_ =	sdelay $0x4  }
0x44: {  	v54 =	vshll.u32 v3, $0x3  }
0x45: {  	v3 =	vand.u32 $0x7, v3;
	v4 =	vand.u32 $0xFFFFFFC0, v54  }
0x46: {  	v3 =	vor.u32 v3, v4  }
0x47: {  	v4 =	vperm.xlane v3, v0;
	_ =	sdelay $0x1  }
0x48: {  	v4 =	vadd.s32 v1, v4;
	_ =	sdelay $0x4  }
0x49: {  	[tilespmem:s29], [sflag:$0x1] =	stream.indirect_vreg.gather [hbm4b:s2+s3], $0x80, v4, vm0, $0xb8;
	[tilespmem:$0x18100] =	vst v63  }
0x4a: {  	v3 =	vperm.xlane v3, v2  }
0x4b: {  	[tilespmem:s30], [sflag:$0x1] =	stream.indirect_vreg.gather [hbm4b:s4+s3], $0x80, v4, vm0, $0xb8;
	[tilespmem:$0x18100] =	vst v63  }
0x4c: {  	v3 =	vadd.s32 v1, v3  }
0x4d: {  	[tilespmem:s31], [sflag:$0x1] =	stream.indirect_vreg.gather [hbm4b:s5+s3], $0x80, v4, vm0, $0xb8;
	[tilespmem:$0x18100] =	vst v63  }
0x4e: {  	_ = 	snop  }
0x4f: {  	[tilespmem:s1], [sflag:$0x1] =	stream.indirect_vreg.gather [hbm4b:s6+s3], $0x80, v4, vm0, $0xb8;
	[tilespmem:$0x18100] =	vst v63  }
0x50: {  	s12 =	simm.s32 $0xA100  }
0x51: {  	[tilespmem:s12], [sflag:$0x1] =	stream.indirect_vreg.gather [hbm4b:s2+s3], $0x80, v3, vm0, $0xb8;
	[tilespmem:$0x18100] =	vst v63  }
0x52: {  	_ = 	snop  }
0x53: {  	[tilespmem:s10], [sflag:$0x1] =	stream.indirect_vreg.gather [hbm4b:s4+s3], $0x80, v3, vm0, $0xb8;
	[tilespmem:$0x18100] =	vst v63  }
0x54: {  	_ = 	snop  }
0x55: {  	[tilespmem:s9], [sflag:$0x1] =	stream.indirect_vreg.gather [hbm4b:s5+s3], $0x80, v3, vm0, $0xb8;
	[tilespmem:$0x18100] =	vst v63  }
0x56: {  	s12 =	simm.s32 $0xB900  }
0x57: {  	[tilespmem:s12], [sflag:$0x1] =	stream.indirect_vreg.gather [hbm4b:s6+s3], $0x80, v3, vm0, $0xb8;
	[tilespmem:$0x18100] =	vst v63  }
0x58: {  	v3 =	vld [tilespmem:$0x30];
	_ =	sdelay $0x4  }
0x59: {  	v55 =	vshll.u32 v3, $0x3  }
0x5a: {  	v3 =	vand.u32 $0x7, v3;
	v4 =	vand.u32 $0xFFFFFFC0, v55  }
0x5b: {  	v3 =	vor.u32 v3, v4  }
0x5c: {  	v4 =	vperm.xlane v3, v0;
	_ =	sdelay $0x1  }
0x5d: {  	v4 =	vadd.s32 v1, v4;
	_ =	sdelay $0x3  }
0x5e: {  	s12 =	simm.s32 $0xC100  }
0x5f: {  	[tilespmem:s12], [sflag:$0x1] =	stream.indirect_vreg.gather [hbm4b:s2+s3], $0x80, v4, vm0, $0xb8;
	[tilespmem:$0x18100] =	vst v63  }
0x60: {  	v3 =	vperm.xlane v3, v2;
	s12 =	simm.s32 $0xC900  }
0x61: {  	[tilespmem:s12], [sflag:$0x1] =	stream.indirect_vreg.gather [hbm4b:s4+s3], $0x80, v4, vm0, $0xb8;
	[tilespmem:$0x18100] =	vst v63  }
0x62: {  	v3 =	vadd.s32 v1, v3;
	s12 =	simm.s32 $0xD100  }
0x63: {  	[tilespmem:s12], [sflag:$0x1] =	stream.indirect_vreg.gather [hbm4b:s5+s3], $0x80, v4, vm0, $0xb8;
	[tilespmem:$0x18100] =	vst v63  }
0x64: {  	s12 =	simm.s32 $0xD900  }
0x65: {  	[tilespmem:s12], [sflag:$0x1] =	stream.indirect_vreg.gather [hbm4b:s6+s3], $0x80, v4, vm0, $0xb8;
	[tilespmem:$0x18100] =	vst v63  }
0x66: {  	s12 =	simm.s32 $0xE100  }
0x67: {  	[tilespmem:s12], [sflag:$0x1] =	stream.indirect_vreg.gather [hbm4b:s2+s3], $0x80, v3, vm0, $0xb8;
	[tilespmem:$0x18100] =	vst v63  }
0x68: {  	s12 =	simm.s32 $0xE900  }
0x69: {  	[tilespmem:s12], [sflag:$0x1] =	stream.indirect_vreg.gather [hbm4b:s4+s3], $0x80, v3, vm0, $0xb8;
	[tilespmem:$0x18100] =	vst v63  }
0x6a: {  	s12 =	simm.s32 $0xF100  }
0x6b: {  	[tilespmem:s12], [sflag:$0x1] =	stream.indirect_vreg.gather [hbm4b:s5+s3], $0x80, v3, vm0, $0xb8;
	[tilespmem:$0x18100] =	vst v63  }
0x6c: {  	s12 =	simm.s32 $0xF900  }
0x6d: {  	[tilespmem:s12], [sflag:$0x1] =	stream.indirect_vreg.gather [hbm4b:s6+s3], $0x80, v3, vm0, $0xb8;
	[tilespmem:$0x18100] =	vst v63  }
0x6e: {  	v3 =	vld [tilespmem:$0x40];
	_ =	sdelay $0x4  }
0x6f: {  	v56 =	vshll.u32 v3, $0x3  }
0x70: {  	v3 =	vand.u32 $0x7, v3;
	v4 =	vand.u32 $0xFFFFFFC0, v56  }
0x71: {  	v3 =	vor.u32 v3, v4  }
0x72: {  	v4 =	vperm.xlane v3, v0;
	_ =	sdelay $0x1  }
0x73: {  	v4 =	vadd.s32 v1, v4;
	_ =	sdelay $0x3  }
0x74: {  	s12 =	simm.s32 $0x10100  }
0x75: {  	[tilespmem:s12], [sflag:$0x1] =	stream.indirect_vreg.gather [hbm4b:s2+s3], $0x80, v4, vm0, $0xb8;
	[tilespmem:$0x18100] =	vst v63  }
0x76: {  	v3 =	vperm.xlane v3, v2;
	s12 =	simm.s32 $0x10900  }
0x77: {  	[tilespmem:s12], [sflag:$0x1] =	stream.indirect_vreg.gather [hbm4b:s4+s3], $0x80, v4, vm0, $0xb8;
	[tilespmem:$0x18100] =	vst v63  }
0x78: {  	v3 =	vadd.s32 v1, v3;
	s12 =	simm.s32 $0x11100  }
0x79: {  	[tilespmem:s12], [sflag:$0x1] =	stream.indirect_vreg.gather [hbm4b:s5+s3], $0x80, v4, vm0, $0xb8;
	[tilespmem:$0x18100] =	vst v63  }
0x7a: {  	s12 =	simm.s32 $0x11900  }
0x7b: {  	[tilespmem:s12], [sflag:$0x1] =	stream.indirect_vreg.gather [hbm4b:s6+s3], $0x80, v4, vm0, $0xb8;
	[tilespmem:$0x18100] =	vst v63  }
0x7c: {  	s12 =	simm.s32 $0x12100  }
0x7d: {  	[tilespmem:s12], [sflag:$0x1] =	stream.indirect_vreg.gather [hbm4b:s2+s3], $0x80, v3, vm0, $0xb8;
	[tilespmem:$0x18100] =	vst v63  }
0x7e: {  	s12 =	simm.s32 $0x12900  }
0x7f: {  	[tilespmem:s12], [sflag:$0x1] =	stream.indirect_vreg.gather [hbm4b:s4+s3], $0x80, v3, vm0, $0xb8;
	[tilespmem:$0x18100] =	vst v63  }
0x80: {  	s12 =	simm.s32 $0x13100  }
0x81: {  	[tilespmem:s12], [sflag:$0x1] =	stream.indirect_vreg.gather [hbm4b:s5+s3], $0x80, v3, vm0, $0xb8;
	[tilespmem:$0x18100] =	vst v63  }
0x82: {  	s12 =	simm.s32 $0x13900  }
0x83: {  	[tilespmem:s12], [sflag:$0x1] =	stream.indirect_vreg.gather [hbm4b:s6+s3], $0x80, v3, vm0, $0xb8;
	[tilespmem:$0x18100] =	vst v63  }
0x84: {  	v3 =	vld [tilespmem:$0x50];
	_ =	sdelay $0x4  }
0x85: {  	v57 =	vshll.u32 v3, $0x3  }
0x86: {  	v3 =	vand.u32 $0x7, v3;
	v4 =	vand.u32 $0xFFFFFFC0, v57  }
0x87: {  	v3 =	vor.u32 v3, v4  }
0x88: {  	v4 =	vperm.xlane v3, v0;
	_ =	sdelay $0x1  }
0x89: {  	v4 =	vadd.s32 v1, v4;
	_ =	sdelay $0x3  }
0x8a: {  	s12 =	simm.s32 $0x14100  }
0x8b: {  	[tilespmem:s12], [sflag:$0x1] =	stream.indirect_vreg.gather [hbm4b:s2+s3], $0x80, v4, vm0, $0xb8;
	[tilespmem:$0x18100] =	vst v63  }
0x8c: {  	v3 =	vperm.xlane v3, v2;
	s12 =	simm.s32 $0x14900  }
0x8d: {  	[tilespmem:s12], [sflag:$0x1] =	stream.indirect_vreg.gather [hbm4b:s4+s3], $0x80, v4, vm0, $0xb8;
	[tilespmem:$0x18100] =	vst v63  }
0x8e: {  	v3 =	vadd.s32 v1, v3;
	s12 =	simm.s32 $0x15100  }
0x8f: {  	[tilespmem:s12], [sflag:$0x1] =	stream.indirect_vreg.gather [hbm4b:s5+s3], $0x80, v4, vm0, $0xb8;
	[tilespmem:$0x18100] =	vst v63  }
0x90: {  	s12 =	simm.s32 $0x15900  }
0x91: {  	[tilespmem:s12], [sflag:$0x1] =	stream.indirect_vreg.gather [hbm4b:s6+s3], $0x80, v4, vm0, $0xb8;
	[tilespmem:$0x18100] =	vst v63  }
0x92: {  	s12 =	simm.s32 $0x16100  }
0x93: {  	[tilespmem:s12], [sflag:$0x1] =	stream.indirect_vreg.gather [hbm4b:s2+s3], $0x80, v3, vm0, $0xb8;
	[tilespmem:$0x18100] =	vst v63  }
0x94: {  	s12 =	simm.s32 $0x16900  }
0x95: {  	[tilespmem:s12], [sflag:$0x1] =	stream.indirect_vreg.gather [hbm4b:s4+s3], $0x80, v3, vm0, $0xb8;
	[tilespmem:$0x18100] =	vst v63  }
0x96: {  	s12 =	simm.s32 $0x17100  }
0x97: {  	[tilespmem:s12], [sflag:$0x1] =	stream.indirect_vreg.gather [hbm4b:s5+s3], $0x80, v3, vm0, $0xb8;
	[tilespmem:$0x18100] =	vst v63  }
0x98: {  	s12 =	simm.s32 $0x17900  }
0x99: {  	[tilespmem:s12], [sflag:$0x1] =	stream.indirect_vreg.gather [hbm4b:s6+s3], $0x80, v3, vm0, $0xb8;
	[tilespmem:$0x18100] =	vst v63  }
0x9a: {  	_ =	swait.ge [sflag:s11], $0x18000  }
0x9b: {  	[sflag:s11] =	ssyncset.done $0x0  }
0x9c: {  	s0 =	simm.s32 $0x100;
	s12 =	rddreg [dreg:$0x4];
	[sflag:s11] =	ssyncadd.s32 $0xFFFE8000  }
0x9d: {  	[hbm4b:s12+s3] =	stream.linear.scatter [tilespmem:s0], [sflag:$0x2], $0x18000, $0x38;
	[tilespmem:$0x18100] =	vst v63  }
0x9e: {  	_ =	swait.ge [sflag:s8], $0x18000  }
0x9f: {  	[sflag:s8] =	ssyncset.done $0x0  }
0xa0: {  	[sflag:s8] =	ssyncadd.s32 $0xFFFE8000  }
0xa1: {  	v3 =	vld [tilespmem:$0x60];
	_ =	sdelay $0x4  }
0xa2: {  	v58 =	vshll.u32 v3, $0x3  }
0xa3: {  	v3 =	vand.u32 $0x7, v3;
	v4 =	vand.u32 $0xFFFFFFC0, v58  }
0xa4: {  	v3 =	vor.u32 v3, v4  }
0xa5: {  	v4 =	vperm.xlane v3, v0;
	_ =	sdelay $0x1  }
0xa6: {  	v4 =	vadd.s32 v1, v4;
	_ =	sdelay $0x4  }
0xa7: {  	[tilespmem:s0], [sflag:$0x1] =	stream.indirect_vreg.gather [hbm4b:s2+s3], $0x80, v4, vm0, $0xb8;
	[tilespmem:$0x18100] =	vst v63  }
0xa8: {  	v3 =	vperm.xlane v3, v2  }
0xa9: {  	[tilespmem:s13], [sflag:$0x1] =	stream.indirect_vreg.gather [hbm4b:s4+s3], $0x80, v4, vm0, $0xb8;
	[tilespmem:$0x18100] =	vst v63  }
0xaa: {  	v3 =	vadd.s32 v1, v3  }
0xab: {  	[tilespmem:s14], [sflag:$0x1] =	stream.indirect_vreg.gather [hbm4b:s5+s3], $0x80, v4, vm0, $0xb8;
	[tilespmem:$0x18100] =	vst v63  }
0xac: {  	_ = 	snop  }
0xad: {  	[tilespmem:s15], [sflag:$0x1] =	stream.indirect_vreg.gather [hbm4b:s6+s3], $0x80, v4, vm0, $0xb8;
	[tilespmem:$0x18100] =	vst v63  }
0xae: {  	_ = 	snop  }
0xaf: {  	[tilespmem:s16], [sflag:$0x1] =	stream.indirect_vreg.gather [hbm4b:s2+s3], $0x80, v3, vm0, $0xb8;
	[tilespmem:$0x18100] =	vst v63  }
0xb0: {  	_ = 	snop  }
0xb1: {  	[tilespmem:s17], [sflag:$0x1] =	stream.indirect_vreg.gather [hbm4b:s4+s3], $0x80, v3, vm0, $0xb8;
	[tilespmem:$0x18100] =	vst v63  }
0xb2: {  	_ = 	snop  }
0xb3: {  	[tilespmem:s18], [sflag:$0x1] =	stream.indirect_vreg.gather [hbm4b:s5+s3], $0x80, v3, vm0, $0xb8;
	[tilespmem:$0x18100] =	vst v63  }
0xb4: {  	_ = 	snop  }
0xb5: {  	[tilespmem:s19], [sflag:$0x1] =	stream.indirect_vreg.gather [hbm4b:s6+s3], $0x80, v3, vm0, $0xb8;
	[tilespmem:$0x18100] =	vst v63  }
0xb6: {  	v3 =	vld [tilespmem:$0x70];
	_ =	sdelay $0x4  }
0xb7: {  	v59 =	vshll.u32 v3, $0x3  }
0xb8: {  	v3 =	vand.u32 $0x7, v3;
	v4 =	vand.u32 $0xFFFFFFC0, v59  }
0xb9: {  	v3 =	vor.u32 v3, v4  }
0xba: {  	v4 =	vperm.xlane v3, v0;
	_ =	sdelay $0x1  }
0xbb: {  	v4 =	vadd.s32 v1, v4;
	_ =	sdelay $0x4  }
0xbc: {  	[tilespmem:s20], [sflag:$0x1] =	stream.indirect_vreg.gather [hbm4b:s2+s3], $0x80, v4, vm0, $0xb8;
	[tilespmem:$0x18100] =	vst v63  }
0xbd: {  	v3 =	vperm.xlane v3, v2  }
0xbe: {  	[tilespmem:s21], [sflag:$0x1] =	stream.indirect_vreg.gather [hbm4b:s4+s3], $0x80, v4, vm0, $0xb8;
	[tilespmem:$0x18100] =	vst v63  }
0xbf: {  	v3 =	vadd.s32 v1, v3  }
0xc0: {  	[tilespmem:s22], [sflag:$0x1] =	stream.indirect_vreg.gather [hbm4b:s5+s3], $0x80, v4, vm0, $0xb8;
	[tilespmem:$0x18100] =	vst v63  }
0xc1: {  	_ = 	snop  }
0xc2: {  	[tilespmem:s23], [sflag:$0x1] =	stream.indirect_vreg.gather [hbm4b:s6+s3], $0x80, v4, vm0, $0xb8;
	[tilespmem:$0x18100] =	vst v63  }
0xc3: {  	_ = 	snop  }
0xc4: {  	[tilespmem:s24], [sflag:$0x1] =	stream.indirect_vreg.gather [hbm4b:s2+s3], $0x80, v3, vm0, $0xb8;
	[tilespmem:$0x18100] =	vst v63  }
0xc5: {  	_ = 	snop  }
0xc6: {  	[tilespmem:s25], [sflag:$0x1] =	stream.indirect_vreg.gather [hbm4b:s4+s3], $0x80, v3, vm0, $0xb8;
	[tilespmem:$0x18100] =	vst v63  }
0xc7: {  	_ = 	snop  }
0xc8: {  	[tilespmem:s26], [sflag:$0x1] =	stream.indirect_vreg.gather [hbm4b:s5+s3], $0x80, v3, vm0, $0xb8;
	[tilespmem:$0x18100] =	vst v63  }
0xc9: {  	_ = 	snop  }
0xca: {  	[tilespmem:s28], [sflag:$0x1] =	stream.indirect_vreg.gather [hbm4b:s6+s3], $0x80, v3, vm0, $0xb8;
	[tilespmem:$0x18100] =	vst v63  }
0xcb: {  	v3 =	vld [tilespmem:$0x80];
	_ =	sdelay $0x4  }
0xcc: {  	v60 =	vshll.u32 v3, $0x3  }
0xcd: {  	v3 =	vand.u32 $0x7, v3;
	v4 =	vand.u32 $0xFFFFFFC0, v60  }
0xce: {  	v3 =	vor.u32 v3, v4  }
0xcf: {  	v4 =	vperm.xlane v3, v0;
	_ =	sdelay $0x1  }
0xd0: {  	v4 =	vadd.s32 v1, v4;
	_ =	sdelay $0x4  }
0xd1: {  	[tilespmem:s29], [sflag:$0x1] =	stream.indirect_vreg.gather [hbm4b:s2+s3], $0x80, v4, vm0, $0xb8;
	[tilespmem:$0x18100] =	vst v63  }
0xd2: {  	v3 =	vperm.xlane v3, v2  }
0xd3: {  	[tilespmem:s30], [sflag:$0x1] =	stream.indirect_vreg.gather [hbm4b:s4+s3], $0x80, v4, vm0, $0xb8;
	[tilespmem:$0x18100] =	vst v63  }
0xd4: {  	v3 =	vadd.s32 v1, v3  }
0xd5: {  	[tilespmem:s31], [sflag:$0x1] =	stream.indirect_vreg.gather [hbm4b:s5+s3], $0x80, v4, vm0, $0xb8;
	[tilespmem:$0x18100] =	vst v63  }
0xd6: {  	_ = 	snop  }
0xd7: {  	[tilespmem:s1], [sflag:$0x1] =	stream.indirect_vreg.gather [hbm4b:s6+s3], $0x80, v4, vm0, $0xb8;
	[tilespmem:$0x18100] =	vst v63  }
0xd8: {  	s12 =	simm.s32 $0xA100  }
0xd9: {  	[tilespmem:s12], [sflag:$0x1] =	stream.indirect_vreg.gather [hbm4b:s2+s3], $0x80, v3, vm0, $0xb8;
	[tilespmem:$0x18100] =	vst v63  }
0xda: {  	_ = 	snop  }
0xdb: {  	[tilespmem:s10], [sflag:$0x1] =	stream.indirect_vreg.gather [hbm4b:s4+s3], $0x80, v3, vm0, $0xb8;
	[tilespmem:$0x18100] =	vst v63  }
0xdc: {  	_ = 	snop  }
0xdd: {  	[tilespmem:s9], [sflag:$0x1] =	stream.indirect_vreg.gather [hbm4b:s5+s3], $0x80, v3, vm0, $0xb8;
	[tilespmem:$0x18100] =	vst v63  }
0xde: {  	s12 =	simm.s32 $0xB900  }
0xdf: {  	[tilespmem:s12], [sflag:$0x1] =	stream.indirect_vreg.gather [hbm4b:s6+s3], $0x80, v3, vm0, $0xb8;
	[tilespmem:$0x18100] =	vst v63  }
0xe0: {  	v3 =	vld [tilespmem:$0x90];
	_ =	sdelay $0x4  }
0xe1: {  	v61 =	vshll.u32 v3, $0x3  }
0xe2: {  	v3 =	vand.u32 $0x7, v3;
	v4 =	vand.u32 $0xFFFFFFC0, v61  }
0xe3: {  	v3 =	vor.u32 v3, v4  }
0xe4: {  	v4 =	vperm.xlane v3, v0;
	_ =	sdelay $0x1  }
0xe5: {  	v4 =	vadd.s32 v1, v4;
	_ =	sdelay $0x3  }
0xe6: {  	s12 =	simm.s32 $0xC100  }
0xe7: {  	[tilespmem:s12], [sflag:$0x1] =	stream.indirect_vreg.gather [hbm4b:s2+s3], $0x80, v4, vm0, $0xb8;
	[tilespmem:$0x18100] =	vst v63  }
0xe8: {  	v3 =	vperm.xlane v3, v2;
	s12 =	simm.s32 $0xC900  }
0xe9: {  	[tilespmem:s12], [sflag:$0x1] =	stream.indirect_vreg.gather [hbm4b:s4+s3], $0x80, v4, vm0, $0xb8;
	[tilespmem:$0x18100] =	vst v63  }
0xea: {  	v3 =	vadd.s32 v1, v3;
	s12 =	simm.s32 $0xD100  }
0xeb: {  	[tilespmem:s12], [sflag:$0x1] =	stream.indirect_vreg.gather [hbm4b:s5+s3], $0x80, v4, vm0, $0xb8;
	[tilespmem:$0x18100] =	vst v63  }
0xec: {  	s12 =	simm.s32 $0xD900  }
0xed: {  	[tilespmem:s12], [sflag:$0x1] =	stream.indirect_vreg.gather [hbm4b:s6+s3], $0x80, v4, vm0, $0xb8;
	[tilespmem:$0x18100] =	vst v63  }
0xee: {  	s12 =	simm.s32 $0xE100  }
0xef: {  	[tilespmem:s12], [sflag:$0x1] =	stream.indirect_vreg.gather [hbm4b:s2+s3], $0x80, v3, vm0, $0xb8;
	[tilespmem:$0x18100] =	vst v63  }
0xf0: {  	s12 =	simm.s32 $0xE900  }
0xf1: {  	[tilespmem:s12], [sflag:$0x1] =	stream.indirect_vreg.gather [hbm4b:s4+s3], $0x80, v3, vm0, $0xb8;
	[tilespmem:$0x18100] =	vst v63  }
0xf2: {  	s12 =	simm.s32 $0xF100  }
0xf3: {  	[tilespmem:s12], [sflag:$0x1] =	stream.indirect_vreg.gather [hbm4b:s5+s3], $0x80, v3, vm0, $0xb8;
	[tilespmem:$0x18100] =	vst v63  }
0xf4: {  	s12 =	simm.s32 $0xF900  }
0xf5: {  	[tilespmem:s12], [sflag:$0x1] =	stream.indirect_vreg.gather [hbm4b:s6+s3], $0x80, v3, vm0, $0xb8;
	[tilespmem:$0x18100] =	vst v63  }
0xf6: {  	v3 =	vld [tilespmem:$0xA0];
	_ =	sdelay $0x4  }
0xf7: {  	v62 =	vshll.u32 v3, $0x3  }
0xf8: {  	v3 =	vand.u32 $0x7, v3;
	v4 =	vand.u32 $0xFFFFFFC0, v62  }
0xf9: {  	v3 =	vor.u32 v3, v4  }
0xfa: {  	v4 =	vperm.xlane v3, v0;
	_ =	sdelay $0x1  }
0xfb: {  	v4 =	vadd.s32 v1, v4;
	_ =	sdelay $0x3  }
0xfc: {  	s12 =	simm.s32 $0x10100  }
0xfd: {  	[tilespmem:s12], [sflag:$0x1] =	stream.indirect_vreg.gather [hbm4b:s2+s3], $0x80, v4, vm0, $0xb8;
	[tilespmem:$0x18100] =	vst v63  }
0xfe: {  	v3 =	vperm.xlane v3, v2;
	s12 =	simm.s32 $0x10900  }
0xff: {  	[tilespmem:s12], [sflag:$0x1] =	stream.indirect_vreg.gather [hbm4b:s4+s3], $0x80, v4, vm0, $0xb8;
	[tilespmem:$0x18100] =	vst v63  }
0x100: {  	v3 =	vadd.s32 v1, v3;
	s12 =	simm.s32 $0x11100  }
0x101: {  	[tilespmem:s12], [sflag:$0x1] =	stream.indirect_vreg.gather [hbm4b:s5+s3], $0x80, v4, vm0, $0xb8;
	[tilespmem:$0x18100] =	vst v63  }
0x102: {  	s12 =	simm.s32 $0x11900  }
0x103: {  	[tilespmem:s12], [sflag:$0x1] =	stream.indirect_vreg.gather [hbm4b:s6+s3], $0x80, v4, vm0, $0xb8;
	[tilespmem:$0x18100] =	vst v63  }
0x104: {  	s12 =	simm.s32 $0x12100  }
0x105: {  	[tilespmem:s12], [sflag:$0x1] =	stream.indirect_vreg.gather [hbm4b:s2+s3], $0x80, v3, vm0, $0xb8;
	[tilespmem:$0x18100] =	vst v63  }
0x106: {  	s12 =	simm.s32 $0x12900  }
0x107: {  	[tilespmem:s12], [sflag:$0x1] =	stream.indirect_vreg.gather [hbm4b:s4+s3], $0x80, v3, vm0, $0xb8;
	[tilespmem:$0x18100] =	vst v63  }
0x108: {  	s12 =	simm.s32 $0x13100  }
0x109: {  	[tilespmem:s12], [sflag:$0x1] =	stream.indirect_vreg.gather [hbm4b:s5+s3], $0x80, v3, vm0, $0xb8;
	[tilespmem:$0x18100] =	vst v63  }
0x10a: {  	s12 =	simm.s32 $0x13900  }
0x10b: {  	[tilespmem:s12], [sflag:$0x1] =	stream.indirect_vreg.gather [hbm4b:s6+s3], $0x80, v3, vm0, $0xb8;
	[tilespmem:$0x18100] =	vst v63  }
0x10c: {  	v3 =	vld [tilespmem:$0xB0];
	_ =	sdelay $0x4  }
0x10d: {  	v63 =	vshll.u32 v3, $0x3  }
0x10e: {  	v3 =	vand.u32 $0x7, v3;
	v4 =	vand.u32 $0xFFFFFFC0, v63  }
0x10f: {  	v3 =	vor.u32 v3, v4  }
0x110: {  	v4 =	vperm.xlane v3, v0;
	_ =	sdelay $0x1  }
0x111: {  	v4 =	vadd.s32 v1, v4;
	_ =	sdelay $0x3  }
0x112: {  	s12 =	simm.s32 $0x14100  }
0x113: {  	[tilespmem:s12], [sflag:$0x1] =	stream.indirect_vreg.gather [hbm4b:s2+s3], $0x80, v4, vm0, $0xb8;
	[tilespmem:$0x18100] =	vst v63  }
0x114: {  	v3 =	vperm.xlane v3, v2;
	s12 =	simm.s32 $0x14900  }
0x115: {  	[tilespmem:s12], [sflag:$0x1] =	stream.indirect_vreg.gather [hbm4b:s4+s3], $0x80, v4, vm0, $0xb8;
	[tilespmem:$0x18100] =	vst v63  }
0x116: {  	v3 =	vadd.s32 v1, v3;
	s12 =	simm.s32 $0x15100  }
0x117: {  	[tilespmem:s12], [sflag:$0x1] =	stream.indirect_vreg.gather [hbm4b:s5+s3], $0x80, v4, vm0, $0xb8;
	[tilespmem:$0x18100] =	vst v63  }
0x118: {  	s12 =	simm.s32 $0x15900  }
0x119: {  	[tilespmem:s12], [sflag:$0x1] =	stream.indirect_vreg.gather [hbm4b:s6+s3], $0x80, v4, vm0, $0xb8;
	[tilespmem:$0x18100] =	vst v63  }
0x11a: {  	s12 =	simm.s32 $0x16100  }
0x11b: {  	[tilespmem:s12], [sflag:$0x1] =	stream.indirect_vreg.gather [hbm4b:s2+s3], $0x80, v3, vm0, $0xb8;
	[tilespmem:$0x18100] =	vst v63  }
0x11c: {  	s12 =	simm.s32 $0x16900  }
0x11d: {  	[tilespmem:s12], [sflag:$0x1] =	stream.indirect_vreg.gather [hbm4b:s4+s3], $0x80, v3, vm0, $0xb8;
	[tilespmem:$0x18100] =	vst v63  }
0x11e: {  	s12 =	simm.s32 $0x17100  }
0x11f: {  	[tilespmem:s12], [sflag:$0x1] =	stream.indirect_vreg.gather [hbm4b:s5+s3], $0x80, v3, vm0, $0xb8;
	[tilespmem:$0x18100] =	vst v63  }
0x120: {  	s12 =	simm.s32 $0x17900  }
0x121: {  	[tilespmem:s12], [sflag:$0x1] =	stream.indirect_vreg.gather [hbm4b:s6+s3], $0x80, v3, vm0, $0xb8;
	[tilespmem:$0x18100] =	vst v63  }
0x122: {  	_ =	swait.ge [sflag:s11], $0x18000  }
0x123: {  	p0 =	sne.s32 s7, $0x1;
	s0 =	simm.s32 $0x100;
	[sflag:s11] =	ssyncset.done $0x0  }
.Ltmp0:
0x124: {  	s12 =	rddreg [dreg:$0x5];
	[sflag:s11] =	ssyncadd.s32 $0xFFFE8000;
	(pc) =	sbr.rel @p0 .LBB2_1-.Ltmp0, $4  }
0x125: {  	[hbm4b:s12+s3] =	stream.linear.scatter [tilespmem:s0], [sflag:$0x2], $0x18000, $0x38;
	[tilespmem:$0x18100] =	vst v63  }
0x126: {  	_ =	swait.ge [sflag:s8], $0x18000  }
0x127: {  	[sflag:s8] =	ssyncset.done $0x0  }
0x128: {  	s7 =	sadd.s32 $0xFFFFFFFF, s7;
	[sflag:s8] =	ssyncadd.s32 $0xFFFE8000  }
0x129: {  	_ =	sfence.sel $0x180000  }
0x12a: {  	[bflag:$0x0] =	sbarrier.arrive $0xFFFF  }
0x12b: {  	_ =	strace $0x9000004A  }
0x12c: {  	s0 =	stileid.u32;
	[bflag:$0x2] =	sbarrier.arrive $0xFFFF  }
0x12d: {  	p0 =	sne.s32 s0, $0x0;
	s0 =	rddreg [dreg:$0x2]  }
0x12e: {  	s0 =	sadd.s32 @!p0 $0x100000, s0  }
0x12f: {  	[sflag:s0] =	ssyncadd.tile.s32 @!p0 $0x1;
	_ =	shalt  }
.Lfunc_end2:
_tile_overlayer_lowered:
.L_overlay_start_2:
0x130: {  	(tag) =	ssettag $0x2  }
0x131: {  	s0 =	rddreg [dreg:$0x0];
	s2 =	stileid.u32  }
0x132: {  	s1 =	rddreg [dreg:$0x1];
	p0 =	sne.s32 s2, $0x0  }
0x133: {  	s3 =	rddreg [dreg:$0x2];
	[bflag:$0x3] =	sbarrier.arrive $0xFFFF;
	s2 =	simm.s32 @!p0 $0x1C02  }
0x134: {  	[timem:s3], [sflag:s2] =	dma.local @!p0 [hbm:s0], s1  }
0x135: {  	s0 =	simm.s32 @!p0 $0x2  }
0x136: {  	_ =	swait.ge @!p0 [sflag:s0], s1  }
0x137: {  	s1 =	ssub.s32 @!p0 $0x0, s1;
	[sflag:s0] =	ssyncset.done @!p0 $0x0  }
0x138: {  	[sflag:s0] =	ssyncadd.s32 @!p0 s1  }
0x139: {  	[bflag:$0x3] =	sbarrier.arrive $0xFFFF  }
0x13a: {  	_ =	shalt  }

// kernel: kernel.15.cloned.1.call-start
scs
__scs_entry_jumppad:
0x0: {  	(pc) =	sbr.rel $0x88, $3  }
0x1: {  	(tag) =	ssettag $0x0;
	lr =	simm.s32 $0x1  }
0x2: {  	[smem:$0x3F99] =	sst lr;
	_ =	strace $0xD0000000  }
0x3: {  	_ = 	snop  }
0x4: {  	_ = 	snop  }
0x5: {  	_ = 	snop  }
0x6: {  	_ = 	snop  }
0x7: {  	_ = 	snop  }
__scs_overlays_trampoline_lowered:
0x8: {  	[smem:$0x3FA8] =	sst s0  }
0x9: {  	[smem:$0x3FA9] =	sst s1  }
0xa: {  	[smem:$0x3FAA] =	sst s2  }
0xb: {  	[smem:$0x3FAB] =	sst s3  }
0xc: {  	[smem:$0x3FAC] =	sst s4  }
0xd: {  	[smem:$0x3FAD] =	sst s5  }
0xe: {  	[smem:$0x3FAE] =	sst s6  }
0xf: {  	[smem:$0x3FAF] =	sst s7  }
0x10: {  	[smem:$0x3FB0] =	sst s8  }
0x11: {  	[smem:$0x3FB1] =	sst s9;
	s0 =	simm.s32 @!p0 $0x0  }
0x12: {  	s1 =	sld [smem:$0x3F97];
	s0 =	simm.s32 @p0 $0x1  }
0x13: {  	[smem:$0x3FB2] =	sst s0;
	s0 =	simm.s32 @!p1 $0x0  }
0x14: {  	s2 =	sld [smem:$0x3F96];
	s0 =	simm.s32 @p1 $0x1  }
0x15: {  	[smem:$0x3FB3] =	sst s0;
	s0 =	simm.s32 @!p2 $0x0  }
0x16: {  	s3 =	sld [smem:$0x3FDB];
	s0 =	simm.s32 @p2 $0x1  }
0x17: {  	s4 =	simm.s32 $0x1BF5;
	[smem:$0x3FB5] =	sst s0  }
0x18: {  	s0 =	sld [smem:$0x3F98];
	_ =	swait.ge [sflag:s4], $0x0  }
0x19: {  	s7 =	sld [smem:$0x3F99]  }
0x1a: {  	s8 =	sadd.s32 $0xFFFFE003, lr  }
0x1b: {  	s9 =	sadd.s32 $0xFFFFFEF7, lr;
	s5 =	simm.s32 $0xFFFFFFFF;
	p2 =	slt.u32 s8, $0xFFFFF086  }
0x1c: {  	p1 =	slt.u32 s9, $0xF7A;
	s5 =	simm.s32 @!p2 $0x0  }
0x1d: {  	s5 =	simm.s32 @p1 $0x1;
	p0 =	seq.s32 s7, s2  }
0x1e: {  	s7 =	smul.u32 @!p0 $0xF7A, s2;
	p2 =	seq.s32 @!p0 s5, $0x0  }
0x1f: {  	s9 =	smul.u32 $0xF7A, s1;
	s8 =	simm.s32 @!p0 $0x1BF5;
	p2 =	por !p2, p0  }
0x20: {  	[sflag:s8] =	ssyncset.s32 @!p0 $0xFFFFF086;
	s6 =	sadd.s32 @!p0 s3, s7;
	s7 =	simm.s32 @!p0 $0x108  }
0x21: {  	s3 =	sadd.s32 s3, s9;
	s6 =	sadd.s32 @!p0 $0x88, s6;
	s7 =	simm.s32 @p2 $0x1082  }
0x22: {  	[simem:s7], [sflag:s8] =	dma.local @!p0 [hbm:s6], $0xF7A  }
0x23: {  	s9 =	sor.u32 $0xD0000000, s2;
	s6 =	simm.s32 $0x108;
	_ =	swait.ge @!p0 [sflag:s8], $0x0  }
0x24: {  	s3 =	sadd.s32 $0x88, s3;
	s6 =	simm.s32 @!p1 $0x1082;
	[sflag:s4] =	ssyncset.s32 $0xFFFFF086  }
0x25: {  	[simem:s6], [sflag:s4] =	dma.local [hbm:s3], $0xF7A  }
0x26: {  	[smem:$0x3F99] =	sst s1;
	(tag) =	ssettag s2;
	_ =	strace s9  }
0x27: {  	s1 =	sld [smem:$0x3FA9]  }
0x28: {  	s2 =	sld [smem:$0x3FAA]  }
0x29: {  	s4 =	sld [smem:$0x3FAC]  }
0x2a: {  	p0 =	seq.s32 s5, $0x0;
	s5 =	sld [smem:$0x3FAD]  }
0x2b: {  	s6 =	sld [smem:$0x3FAE]  }
0x2c: {  	s7 =	sld [smem:$0x3FAF]  }
0x2d: {  	s3 =	simm.s32 $0x108;
	s8 =	sld [smem:$0x3FB0]  }
0x2e: {  	s3 =	simm.s32 @!p0 $0x1082;
	s9 =	sld [smem:$0x3FB1]  }
0x2f: {  	lr =	sadd.s32 s0, s3;
	s0 =	sld [smem:$0x3FA8]  }
0x30: {  	s3 =	sld [smem:$0x3FAB]  }
0x31: {  	[smem:$0x3FB4] =	sst s10  }
0x32: {  	s10 =	sld [smem:$0x3FB2];
	_ =	sdelay $0x3  }
0x33: {  	p0 =	seq.s32 s10, $0x1;
	s10 =	sld [smem:$0x3FB4];
	_ =	sdelay $0x3  }
0x34: {  	[smem:$0x3FB4] =	sst s10  }
0x35: {  	s10 =	sld [smem:$0x3FB3];
	_ =	sdelay $0x3  }
0x36: {  	p1 =	seq.s32 s10, $0x1;
	s10 =	sld [smem:$0x3FB4];
	_ =	sdelay $0x3  }
0x37: {  	[smem:$0x3FB4] =	sst s10  }
0x38: {  	s10 =	sld [smem:$0x3FB5]  }
0x39: {  	_ = 	snop;
	(pc) =	sbr.ind lr, $3  }
0x3a: {  	_ = 	snop  }
0x3b: {  	_ = 	snop  }
0x3c: {  	p2 =	seq.s32 s10, $0x1;
	s10 =	sld [smem:$0x3FB4]  }
0x3d: {  	_ =	shalt  }
0x3e: {  	_ =	shalt  }
0x3f: {  	_ =	shalt  }
0x40: {  	_ =	shalt  }
0x41: {  	_ =	shalt  }
0x42: {  	_ =	shalt  }
0x43: {  	_ =	shalt  }
0x44: {  	_ =	shalt  }
0x45: {  	_ =	shalt  }
0x46: {  	_ =	shalt  }
0x47: {  	_ =	shalt  }
0x48: {  	_ =	shalt  }
0x49: {  	_ =	shalt  }
0x4a: {  	_ =	shalt  }
0x4b: {  	_ =	shalt  }
0x4c: {  	_ =	shalt  }
0x4d: {  	_ =	shalt  }
0x4e: {  	_ =	shalt  }
0x4f: {  	_ =	shalt  }
0x50: {  	_ =	shalt  }
0x51: {  	_ =	shalt  }
0x52: {  	_ =	shalt  }
0x53: {  	_ =	shalt  }
0x54: {  	_ =	shalt  }
0x55: {  	_ =	shalt  }
0x56: {  	_ =	shalt  }
0x57: {  	_ =	shalt  }
0x58: {  	_ =	shalt  }
0x59: {  	_ =	shalt  }
0x5a: {  	_ =	shalt  }
0x5b: {  	_ =	shalt  }
0x5c: {  	_ =	shalt  }
0x5d: {  	_ =	shalt  }
0x5e: {  	_ =	shalt  }
0x5f: {  	_ =	shalt  }
0x60: {  	_ =	shalt  }
0x61: {  	_ =	shalt  }
0x62: {  	_ =	shalt  }
0x63: {  	_ =	shalt  }
0x64: {  	_ =	shalt  }
0x65: {  	_ =	shalt  }
0x66: {  	_ =	shalt  }
0x67: {  	_ =	shalt  }
0x68: {  	_ =	shalt  }
0x69: {  	_ =	shalt  }
0x6a: {  	_ =	shalt  }
0x6b: {  	_ =	shalt  }
0x6c: {  	_ =	shalt  }
0x6d: {  	_ =	shalt  }
0x6e: {  	_ =	shalt  }
0x6f: {  	_ =	shalt  }
0x70: {  	_ =	shalt  }
0x71: {  	_ =	shalt  }
0x72: {  	_ =	shalt  }
0x73: {  	_ =	shalt  }
0x74: {  	_ =	shalt  }
0x75: {  	_ =	shalt  }
0x76: {  	_ =	shalt  }
0x77: {  	_ =	shalt  }
0x78: {  	_ =	shalt  }
0x79: {  	_ =	shalt  }
0x7a: {  	_ =	shalt  }
0x7b: {  	_ =	shalt  }
0x7c: {  	_ =	shalt  }
0x7d: {  	_ =	shalt  }
0x7e: {  	_ =	shalt  }
0x7f: {  	_ =	shalt  }
0x80: {  	_ =	shalt  }
0x81: {  	_ =	shalt  }
0x82: {  	_ =	shalt  }
0x83: {  	_ =	shalt  }
0x84: {  	_ =	shalt  }
0x85: {  	_ =	shalt  }
0x86: {  	_ =	shalt  }
0x87: {  	_ =	shalt  }
.Lfunc_end0:
.L_simem_size_0:
called_computation.2_lowered:
.L_overlay_start_0:
0x88: {  	s2 =	sld [smem:$0x3FD9]  }
0x89: {  	s3 =	sld [smem:$0x3FFE];
	_ =	sdelay $0x1  }
0x8a: {  	s1 =	srdreg.scid  }
0x8b: {  	s0 =	sand.u32 $0x1, s1  }
0x8c: {  	s17 =	sshll.u32 s0, $0xA;
	s2 =	sadd.s32 s3, s2  }
0x8d: {  	s2 =	sadd.s32 s2, s17  }
0x8e: {  	[smem:$0x3FC0] =	sst s2  }
0x8f: {  	_ = 	snop  }
0x90: {  	s2 =	sld [smem:$0x3FD0];
	(tm) =	ssettm $0x1  }
0x91: {  	s18 =	sld [smem:$0x3FFB];
	_ =	sdelay $0x3  }
0x92: {  	_ =	strace s18  }
0x93: {  	s3 =	sld [smem:$0x3FFC];
	_ =	sdelay $0x3  }
0x94: {  	_ =	strace s3  }
0x95: {  	s3 =	sld [smem:$0x3FFD];
	_ =	sdelay $0x3  }
0x96: {  	_ =	strace s3  }
0x97: {  	_ =	strace $0x8FFFFFFF  }
0x98: {  	s19 =	sld [smem:$0x3FDB];
	_ =	sdelay $0x1  }
0x99: {  	s4 =	simm.s32 $_scs_section_size  }
0x9a: {  	s5 =	simm.s32 $_size__tile_overlayer_lowered;
	s6 =	simm.s32 $_tile_overlayer_lowered  }
0x9b: {  	s22 =	simm.s32 $0x1BFF;
	s21 =	sshll.u32 s6, $0x1;
	s3 =	sadd.s32 s4, s19  }
0x9c: {  	s7 =	simm.s32 $0x0;
	s20 =	sshll.u32 s5, $0x1;
	s5 =	sadd.s32 s21, s3  }
0x9d: {  	[timem:s7], [sflag:s22] =	dma.local [hbm:s5], s20  }
0x9e: {  	_ =	swait.ge [sflag:s22], s20  }
0x9f: {  	s4 =	ssub.s32 $0x0, s20;
	[sflag:s22] =	ssyncset.done $0x0  }
0xa0: {  	[sflag:s22] =	ssyncadd.s32 s4;
	_ =	sdelay $0x1  }
0xa1: {  	s23 =	simm.s32 $0x1B8B  }
0xa2: {  	_ =	swait.ge [sflag:s23], $0x1  }
0xa3: {  	[sflag:s23] =	ssyncset.done $0x0  }
0xa4: {  	s25 =	simm.s32 $0x1B8E;
	s24 =	sld [smem:$0x3FFE];
	[sflag:s23] =	ssyncadd.s32 $0xFFFFFFFF  }
0xa5: {  	s26 =	simm.s32 $execute0_lowered;
	[smem:$0x3FD2] =	sst s25  }
0xa6: {  	s5 =	sshll.u32 s26, $0x1;
	_ =	strace $0x8000004C;
	[dreg:$0x1] =	wrdreg $0xFFFFFFFF  }
0xa7: {  	s28 =	simm.s32 $_size_execute0_lowered;
	s3 =	sadd.s32 s3, s5;
	[dreg:$0x0] =	wrdreg $0x0  }
0xa8: {  	s5 =	sshll.u32 s28, $0x1;
	[dreg:$0x2] =	wrdreg s3  }
0xa9: {  	[dreg:$0x3] =	wrdreg s5  }
0xaa: {  	[dreg:$0x4] =	wrdreg $0xC0  }
0xab: {  	_ =	task [dreg:s7], $0x5FFFF  }
0xac: {  	[dreg:$0x1] =	wrdreg $0xFFFFFFFF  }
0xad: {  	[dreg:$0x0] =	wrdreg $0x60  }
0xae: {  	[dreg:$0x2] =	wrdreg s24  }
0xaf: {  	[dreg:$0x3] =	wrdreg s2  }
0xb0: {  	[dreg:$0x4] =	wrdreg $0x9  }
0xb1: {  	_ =	task.clear_ibuf [dreg:s7], $0x5FFFF;
	_ =	strace $0x9000004C  }
0xb2: {  	s29 =	simm.s32 $0x9;
	_ =	strace $0x8000004E  }
0xb3: {  	_ =	swait.ge [sflag:s29], $0x1  }
0xb4: {  	[sflag:s29] =	ssyncadd.s32 $0xFFFFFFFF  }
0xb5: {  	_ =	strace $0x9000004E  }
0xb6: {  	_ =	sfence  }
0xb7: {  	s30 =	sld [smem:$0x0];
	_ =	sdelay $0x2  }
0xb8: {  	s31 =	sshll.u32 s1, $0xD;
	s1 =	sshrl.u32 s1, $0x2  }
0xb9: {  	s3 =	sand.u32 $0x4000, s31;
	s1 =	sadd.s32 s1, s30  }
0xba: {  	s0 =	sor.u32 s3, s0;
	s1 =	sshll.u32 s1, $0x11  }
0xbb: {  	s0 =	sor.u32 s1, s0  }
0xbc: {  	s0 =	sadd.s32 $0x8F2B, s0  }
0xbd: {  	[sflag:s0] =	ssyncadd.remote.s32 $0x1  }
0xbe: {  	_ =	sfence.sel $0xFFFF  }
0xbf: {  	[dreg:$0x0] =	wrdreg $0xFFFFFFFF;
	(pc) =	sbr.abs _section_cstart, $3  }
0xc0: {  	[dreg:$0x1] =	wrdreg $0xFFFFFFFF  }
0xc1: {  	_ =	task.clear_ibuf [dreg:s7], $0x2FFFF;
	_ =	strace $0x9FFFFFFF  }
0xc2: {  	(tm) =	ssettm $0x7FFFFFFF  }
0xc3: {  	_ =	shalt  }
tec
execute0_lowered:
.L_overlay_start_1:
0x0: {  	(tag) =	ssettag $0x1  }
0x1: {  	s0 =	rddreg [dreg:$0x0]  }
0x2: {  	s1 =	rddreg [dreg:$0x1];
	s3 =	srdreg.scid  }
0x3: {  	s2 =	simm.s32 $0x0;
	s5 =	stileid.u32;
	s18 =	simm.s32 $0x1  }
0x4: {  	s20 =	simm.s32 $0x880;
	s21 =	simm.s32 $0x1080;
	s28 =	simm.s32 $0x4080  }
0x5: {  	s29 =	simm.s32 $0x4880;
	s30 =	simm.s32 $0x5080;
	s31 =	simm.s32 $0x5880  }
0x6: {  	s10 =	simm.s32 $0x7080;
	s11 =	simm.s32 $0x7880;
	s12 =	simm.s32 $0x8080  }
0x7: {  	s13 =	simm.s32 $0x8880;
	s14 =	simm.s32 $0x9080;
	s15 =	simm.s32 $0x9880  }
0x8: {  	s16 =	simm.s32 $0xA080;
	s17 =	simm.s32 $0xA880;
	s9 =	simm.s32 $0xB080  }
0x9: {  	s4 =	sand.u32 $0x1, s3;
	[smem:$0x7FF] =	sst s2;
	s22 =	sshll.u32 s5, $0x7  }
0xa: {  	s3 =	sadd.s32 $0xC3600, s0;
	s23 =	sshll.u32 s4, $0x6;
	s4 =	ssub.s32 $0x2, s4  }
0xb: {  	_ =	strace $0x8000004D;
	s5 =	sor.u32 s23, s22;
	s7 =	sshrl.u32 s4, $0x1  }
0xc: {  	s22 =	simm.s32 $0x1880;
	s23 =	simm.s32 $0x2080;
	s6 =	sshrl.u32 s5, $0x3  }
0xd: {  	s5 =	sshll.u32 s5, $0x7;
	s7 =	ssub.s32 s4, s7;
	s4 =	sadd.s32 $0xC3700, s0  }
0xe: {  	s6 =	sadd.s32 s6, s0;
	s8 =	sadd.s32 s5, s0;
	s1 =	sadd.s32 s1, s5  }
0xf: {  	s5 =	sadd.s32 $0xC3800, s0;
	s24 =	sadd.s32 $0xC3400, s6;
	[dreg:$0x4] =	wrdreg s1  }
0x10: {  	s7 =	smax.u32 s7, $0x1;
	s25 =	sadd.s32 $0xC3200, s6;
	[dreg:$0x3] =	wrdreg s24  }
0x11: {  	v2 =	vlaneseq.u32;
	s6 =	sadd.s32 $0xC3900, s0;
	s26 =	sadd.s32 $0x2E00, s8;
	[dreg:$0x5] =	wrdreg s25  }
0x12: {  	vm0 =	vmmov $0xffff;
	v1 =	vshrl.u32 v2, $0x3;
	s8 =	simm.s32 $0x2;
	s0 =	simm.s32 $0x80;
	[dreg:$0x6] =	wrdreg s26  }
0x13: {  	v0 =	vand.u32 $0x7, v2;
	v2 =	vor.u32 $0x8, v2;
	v1 =	vmul.u32 $0x8, v1;
	s24 =	simm.s32 $0x2880;
	s25 =	simm.s32 $0x3080;
	s26 =	simm.s32 $0x3880  }
.LBB2_1:
0x14: {  	s19 =	rddreg [dreg:$0x3]  }
0x15: {  	[tilespmem:s2], [sflag:$0x2] =	stream.linear.gather [hbm4b:s19+s2], $0x40, $0x38;
	[tilespmem:$0x10080] =	vst v63  }
0x16: {  	_ =	swait.ge [sflag:s8], $0x40  }
0x17: {  	[sflag:s8] =	ssyncset.done $0x0  }
0x18: {  	[sflag:s8] =	ssyncadd.s32 $0xFFFFFFC0  }
0x19: {  	v3 =	vld [tilespmem:$0x0];
	_ =	sdelay $0x4  }
0x1a: {  	v4 =	vshll.u32 v3, $0x3  }
0x1b: {  	v3 =	vand.u32 $0x7, v3;
	v4 =	vand.u32 $0xFFFFFFC0, v4  }
0x1c: {  	v3 =	vor.u32 v3, v4  }
0x1d: {  	v4 =	vperm.xlane v3, v0;
	_ =	sdelay $0x1  }
0x1e: {  	v4 =	vadd.s32 v1, v4;
	_ =	sdelay $0x4  }
0x1f: {  	[tilespmem:s0], [sflag:$0x1] =	stream.indirect_vreg.gather [hbm4b:s3+s2], $0x80, v4, vm0, $0xb8;
	[tilespmem:$0x10080] =	vst v63  }
0x20: {  	v3 =	vperm.xlane v3, v2  }
0x21: {  	[tilespmem:s20], [sflag:$0x1] =	stream.indirect_vreg.gather [hbm4b:s4+s2], $0x80, v4, vm0, $0xb8;
	[tilespmem:$0x10080] =	vst v63  }
0x22: {  	v3 =	vadd.s32 v1, v3  }
0x23: {  	[tilespmem:s21], [sflag:$0x1] =	stream.indirect_vreg.gather [hbm4b:s5+s2], $0x80, v4, vm0, $0xb8;
	[tilespmem:$0x10080] =	vst v63  }
0x24: {  	_ = 	snop  }
0x25: {  	[tilespmem:s22], [sflag:$0x1] =	stream.indirect_vreg.gather [hbm4b:s6+s2], $0x80, v4, vm0, $0xb8;
	[tilespmem:$0x10080] =	vst v63  }
0x26: {  	_ = 	snop  }
0x27: {  	[tilespmem:s23], [sflag:$0x1] =	stream.indirect_vreg.gather [hbm4b:s3+s2], $0x80, v3, vm0, $0xb8;
	[tilespmem:$0x10080] =	vst v63  }
0x28: {  	_ = 	snop  }
0x29: {  	[tilespmem:s24], [sflag:$0x1] =	stream.indirect_vreg.gather [hbm4b:s4+s2], $0x80, v3, vm0, $0xb8;
	[tilespmem:$0x10080] =	vst v63  }
0x2a: {  	_ = 	snop  }
0x2b: {  	[tilespmem:s25], [sflag:$0x1] =	stream.indirect_vreg.gather [hbm4b:s5+s2], $0x80, v3, vm0, $0xb8;
	[tilespmem:$0x10080] =	vst v63  }
0x2c: {  	_ = 	snop  }
0x2d: {  	[tilespmem:s26], [sflag:$0x1] =	stream.indirect_vreg.gather [hbm4b:s6+s2], $0x80, v3, vm0, $0xb8;
	[tilespmem:$0x10080] =	vst v63  }
0x2e: {  	v3 =	vld [tilespmem:$0x10];
	_ =	sdelay $0x4  }
0x2f: {  	v57 =	vshll.u32 v3, $0x3  }
0x30: {  	v3 =	vand.u32 $0x7, v3;
	v4 =	vand.u32 $0xFFFFFFC0, v57  }
0x31: {  	v3 =	vor.u32 v3, v4  }
0x32: {  	v4 =	vperm.xlane v3, v0;
	_ =	sdelay $0x1  }
0x33: {  	v4 =	vadd.s32 v1, v4;
	_ =	sdelay $0x4  }
0x34: {  	[tilespmem:s28], [sflag:$0x1] =	stream.indirect_vreg.gather [hbm4b:s3+s2], $0x80, v4, vm0, $0xb8;
	[tilespmem:$0x10080] =	vst v63  }
0x35: {  	v3 =	vperm.xlane v3, v2  }
0x36: {  	[tilespmem:s29], [sflag:$0x1] =	stream.indirect_vreg.gather [hbm4b:s4+s2], $0x80, v4, vm0, $0xb8;
	[tilespmem:$0x10080] =	vst v63  }
0x37: {  	v3 =	vadd.s32 v1, v3  }
0x38: {  	[tilespmem:s30], [sflag:$0x1] =	stream.indirect_vreg.gather [hbm4b:s5+s2], $0x80, v4, vm0, $0xb8;
	[tilespmem:$0x10080] =	vst v63  }
0x39: {  	_ = 	snop  }
0x3a: {  	[tilespmem:s31], [sflag:$0x1] =	stream.indirect_vreg.gather [hbm4b:s6+s2], $0x80, v4, vm0, $0xb8;
	[tilespmem:$0x10080] =	vst v63  }
0x3b: {  	s1 =	simm.s32 $0x6080  }
0x3c: {  	[tilespmem:s1], [sflag:$0x1] =	stream.indirect_vreg.gather [hbm4b:s3+s2], $0x80, v3, vm0, $0xb8;
	[tilespmem:$0x10080] =	vst v63  }
0x3d: {  	s1 =	simm.s32 $0x6880  }
0x3e: {  	[tilespmem:s1], [sflag:$0x1] =	stream.indirect_vreg.gather [hbm4b:s4+s2], $0x80, v3, vm0, $0xb8;
	[tilespmem:$0x10080] =	vst v63  }
0x3f: {  	_ = 	snop  }
0x40: {  	[tilespmem:s10], [sflag:$0x1] =	stream.indirect_vreg.gather [hbm4b:s5+s2], $0x80, v3, vm0, $0xb8;
	[tilespmem:$0x10080] =	vst v63  }
0x41: {  	_ = 	snop  }
0x42: {  	[tilespmem:s11], [sflag:$0x1] =	stream.indirect_vreg.gather [hbm4b:s6+s2], $0x80, v3, vm0, $0xb8;
	[tilespmem:$0x10080] =	vst v63  }
0x43: {  	v3 =	vld [tilespmem:$0x20];
	_ =	sdelay $0x4  }
0x44: {  	v58 =	vshll.u32 v3, $0x3  }
0x45: {  	v3 =	vand.u32 $0x7, v3;
	v4 =	vand.u32 $0xFFFFFFC0, v58  }
0x46: {  	v3 =	vor.u32 v3, v4  }
0x47: {  	v4 =	vperm.xlane v3, v0;
	_ =	sdelay $0x1  }
0x48: {  	v4 =	vadd.s32 v1, v4;
	_ =	sdelay $0x4  }
0x49: {  	[tilespmem:s12], [sflag:$0x1] =	stream.indirect_vreg.gather [hbm4b:s3+s2], $0x80, v4, vm0, $0xb8;
	[tilespmem:$0x10080] =	vst v63  }
0x4a: {  	v3 =	vperm.xlane v3, v2  }
0x4b: {  	[tilespmem:s13], [sflag:$0x1] =	stream.indirect_vreg.gather [hbm4b:s4+s2], $0x80, v4, vm0, $0xb8;
	[tilespmem:$0x10080] =	vst v63  }
0x4c: {  	v3 =	vadd.s32 v1, v3  }
0x4d: {  	[tilespmem:s14], [sflag:$0x1] =	stream.indirect_vreg.gather [hbm4b:s5+s2], $0x80, v4, vm0, $0xb8;
	[tilespmem:$0x10080] =	vst v63  }
0x4e: {  	_ = 	snop  }
0x4f: {  	[tilespmem:s15], [sflag:$0x1] =	stream.indirect_vreg.gather [hbm4b:s6+s2], $0x80, v4, vm0, $0xb8;
	[tilespmem:$0x10080] =	vst v63  }
0x50: {  	_ = 	snop  }
0x51: {  	[tilespmem:s16], [sflag:$0x1] =	stream.indirect_vreg.gather [hbm4b:s3+s2], $0x80, v3, vm0, $0xb8;
	[tilespmem:$0x10080] =	vst v63  }
0x52: {  	_ = 	snop  }
0x53: {  	[tilespmem:s17], [sflag:$0x1] =	stream.indirect_vreg.gather [hbm4b:s4+s2], $0x80, v3, vm0, $0xb8;
	[tilespmem:$0x10080] =	vst v63  }
0x54: {  	_ = 	snop  }
0x55: {  	[tilespmem:s9], [sflag:$0x1] =	stream.indirect_vreg.gather [hbm4b:s5+s2], $0x80, v3, vm0, $0xb8;
	[tilespmem:$0x10080] =	vst v63  }
0x56: {  	s19 =	simm.s32 $0xB880  }
0x57: {  	[tilespmem:s19], [sflag:$0x1] =	stream.indirect_vreg.gather [hbm4b:s6+s2], $0x80, v3, vm0, $0xb8;
	[tilespmem:$0x10080] =	vst v63  }
0x58: {  	v3 =	vld [tilespmem:$0x30];
	_ =	sdelay $0x4  }
0x59: {  	v59 =	vshll.u32 v3, $0x3  }
0x5a: {  	v3 =	vand.u32 $0x7, v3;
	v4 =	vand.u32 $0xFFFFFFC0, v59  }
0x5b: {  	v3 =	vor.u32 v3, v4  }
0x5c: {  	v4 =	vperm.xlane v3, v0;
	_ =	sdelay $0x1  }
0x5d: {  	v4 =	vadd.s32 v1, v4;
	_ =	sdelay $0x3  }
0x5e: {  	s19 =	simm.s32 $0xC080  }
0x5f: {  	[tilespmem:s19], [sflag:$0x1] =	stream.indirect_vreg.gather [hbm4b:s3+s2], $0x80, v4, vm0, $0xb8;
	[tilespmem:$0x10080] =	vst v63  }
0x60: {  	v3 =	vperm.xlane v3, v2;
	s19 =	simm.s32 $0xC880  }
0x61: {  	[tilespmem:s19], [sflag:$0x1] =	stream.indirect_vreg.gather [hbm4b:s4+s2], $0x80, v4, vm0, $0xb8;
	[tilespmem:$0x10080] =	vst v63  }
0x62: {  	v3 =	vadd.s32 v1, v3;
	s19 =	simm.s32 $0xD080  }
0x63: {  	[tilespmem:s19], [sflag:$0x1] =	stream.indirect_vreg.gather [hbm4b:s5+s2], $0x80, v4, vm0, $0xb8;
	[tilespmem:$0x10080] =	vst v63  }
0x64: {  	s19 =	simm.s32 $0xD880  }
0x65: {  	[tilespmem:s19], [sflag:$0x1] =	stream.indirect_vreg.gather [hbm4b:s6+s2], $0x80, v4, vm0, $0xb8;
	[tilespmem:$0x10080] =	vst v63  }
0x66: {  	s19 =	simm.s32 $0xE080  }
0x67: {  	[tilespmem:s19], [sflag:$0x1] =	stream.indirect_vreg.gather [hbm4b:s3+s2], $0x80, v3, vm0, $0xb8;
	[tilespmem:$0x10080] =	vst v63  }
0x68: {  	s19 =	simm.s32 $0xE880  }
0x69: {  	[tilespmem:s19], [sflag:$0x1] =	stream.indirect_vreg.gather [hbm4b:s4+s2], $0x80, v3, vm0, $0xb8;
	[tilespmem:$0x10080] =	vst v63  }
0x6a: {  	s19 =	simm.s32 $0xF080  }
0x6b: {  	[tilespmem:s19], [sflag:$0x1] =	stream.indirect_vreg.gather [hbm4b:s5+s2], $0x80, v3, vm0, $0xb8;
	[tilespmem:$0x10080] =	vst v63  }
0x6c: {  	s19 =	simm.s32 $0xF880  }
0x6d: {  	[tilespmem:s19], [sflag:$0x1] =	stream.indirect_vreg.gather [hbm4b:s6+s2], $0x80, v3, vm0, $0xb8;
	[tilespmem:$0x10080] =	vst v63  }
0x6e: {  	_ =	swait.ge [sflag:s18], $0x10000  }
0x6f: {  	[sflag:s18] =	ssyncset.done $0x0  }
0x70: {  	s19 =	rddreg [dreg:$0x4];
	[sflag:s18] =	ssyncadd.s32 $0xFFFF0000  }
0x71: {  	[hbm4b:s19+s2] =	stream.linear.scatter [tilespmem:s0], [sflag:$0x2], $0x10000, $0x38;
	[tilespmem:$0x10080] =	vst v63  }
0x72: {  	_ =	swait.ge [sflag:s8], $0x10000  }
0x73: {  	[sflag:s8] =	ssyncset.done $0x0  }
0x74: {  	s19 =	rddreg [dreg:$0x5];
	[sflag:s8] =	ssyncadd.s32 $0xFFFF0000  }
0x75: {  	[tilespmem:s2], [sflag:$0x2] =	stream.linear.gather [hbm4b:s19+s2], $0x40, $0x38;
	[tilespmem:$0x10080] =	vst v63  }
0x76: {  	_ =	swait.ge [sflag:s8], $0x40  }
0x77: {  	[sflag:s8] =	ssyncset.done $0x0  }
0x78: {  	[sflag:s8] =	ssyncadd.s32 $0xFFFFFFC0  }
0x79: {  	v3 =	vld [tilespmem:$0x0];
	_ =	sdelay $0x4  }
0x7a: {  	v60 =	vshll.u32 v3, $0x3  }
0x7b: {  	v3 =	vand.u32 $0x7, v3;
	v4 =	vand.u32 $0xFFFFFFC0, v60  }
0x7c: {  	v3 =	vor.u32 v3, v4  }
0x7d: {  	v4 =	vperm.xlane v3, v0;
	_ =	sdelay $0x1  }
0x7e: {  	v4 =	vadd.s32 v1, v4;
	_ =	sdelay $0x4  }
0x7f: {  	[tilespmem:s0], [sflag:$0x1] =	stream.indirect_vreg.gather [hbm4b:s3+s2], $0x80, v4, vm0, $0xb8;
	[tilespmem:$0x10080] =	vst v63  }
0x80: {  	v3 =	vperm.xlane v3, v2  }
0x81: {  	[tilespmem:s20], [sflag:$0x1] =	stream.indirect_vreg.gather [hbm4b:s4+s2], $0x80, v4, vm0, $0xb8;
	[tilespmem:$0x10080] =	vst v63  }
0x82: {  	v3 =	vadd.s32 v1, v3  }
0x83: {  	[tilespmem:s21], [sflag:$0x1] =	stream.indirect_vreg.gather [hbm4b:s5+s2], $0x80, v4, vm0, $0xb8;
	[tilespmem:$0x10080] =	vst v63  }
0x84: {  	_ = 	snop  }
0x85: {  	[tilespmem:s22], [sflag:$0x1] =	stream.indirect_vreg.gather [hbm4b:s6+s2], $0x80, v4, vm0, $0xb8;
	[tilespmem:$0x10080] =	vst v63  }
0x86: {  	_ = 	snop  }
0x87: {  	[tilespmem:s23], [sflag:$0x1] =	stream.indirect_vreg.gather [hbm4b:s3+s2], $0x80, v3, vm0, $0xb8;
	[tilespmem:$0x10080] =	vst v63  }
0x88: {  	_ = 	snop  }
0x89: {  	[tilespmem:s24], [sflag:$0x1] =	stream.indirect_vreg.gather [hbm4b:s4+s2], $0x80, v3, vm0, $0xb8;
	[tilespmem:$0x10080] =	vst v63  }
0x8a: {  	_ = 	snop  }
0x8b: {  	[tilespmem:s25], [sflag:$0x1] =	stream.indirect_vreg.gather [hbm4b:s5+s2], $0x80, v3, vm0, $0xb8;
	[tilespmem:$0x10080] =	vst v63  }
0x8c: {  	_ = 	snop  }
0x8d: {  	[tilespmem:s26], [sflag:$0x1] =	stream.indirect_vreg.gather [hbm4b:s6+s2], $0x80, v3, vm0, $0xb8;
	[tilespmem:$0x10080] =	vst v63  }
0x8e: {  	v3 =	vld [tilespmem:$0x10];
	_ =	sdelay $0x4  }
0x8f: {  	v61 =	vshll.u32 v3, $0x3  }
0x90: {  	v3 =	vand.u32 $0x7, v3;
	v4 =	vand.u32 $0xFFFFFFC0, v61  }
0x91: {  	v3 =	vor.u32 v3, v4  }
0x92: {  	v4 =	vperm.xlane v3, v0;
	_ =	sdelay $0x1  }
0x93: {  	v4 =	vadd.s32 v1, v4;
	_ =	sdelay $0x4  }
0x94: {  	[tilespmem:s28], [sflag:$0x1] =	stream.indirect_vreg.gather [hbm4b:s3+s2], $0x80, v4, vm0, $0xb8;
	[tilespmem:$0x10080] =	vst v63  }
0x95: {  	v3 =	vperm.xlane v3, v2  }
0x96: {  	[tilespmem:s29], [sflag:$0x1] =	stream.indirect_vreg.gather [hbm4b:s4+s2], $0x80, v4, vm0, $0xb8;
	[tilespmem:$0x10080] =	vst v63  }
0x97: {  	v3 =	vadd.s32 v1, v3  }
0x98: {  	[tilespmem:s30], [sflag:$0x1] =	stream.indirect_vreg.gather [hbm4b:s5+s2], $0x80, v4, vm0, $0xb8;
	[tilespmem:$0x10080] =	vst v63  }
0x99: {  	_ = 	snop  }
0x9a: {  	[tilespmem:s31], [sflag:$0x1] =	stream.indirect_vreg.gather [hbm4b:s6+s2], $0x80, v4, vm0, $0xb8;
	[tilespmem:$0x10080] =	vst v63  }
0x9b: {  	s19 =	simm.s32 $0x6080  }
0x9c: {  	[tilespmem:s19], [sflag:$0x1] =	stream.indirect_vreg.gather [hbm4b:s3+s2], $0x80, v3, vm0, $0xb8;
	[tilespmem:$0x10080] =	vst v63  }
0x9d: {  	_ = 	snop  }
0x9e: {  	[tilespmem:s1], [sflag:$0x1] =	stream.indirect_vreg.gather [hbm4b:s4+s2], $0x80, v3, vm0, $0xb8;
	[tilespmem:$0x10080] =	vst v63  }
0x9f: {  	_ = 	snop  }
0xa0: {  	[tilespmem:s10], [sflag:$0x1] =	stream.indirect_vreg.gather [hbm4b:s5+s2], $0x80, v3, vm0, $0xb8;
	[tilespmem:$0x10080] =	vst v63  }
0xa1: {  	_ = 	snop  }
0xa2: {  	[tilespmem:s11], [sflag:$0x1] =	stream.indirect_vreg.gather [hbm4b:s6+s2], $0x80, v3, vm0, $0xb8;
	[tilespmem:$0x10080] =	vst v63  }
0xa3: {  	v3 =	vld [tilespmem:$0x20];
	_ =	sdelay $0x4  }
0xa4: {  	v62 =	vshll.u32 v3, $0x3  }
0xa5: {  	v3 =	vand.u32 $0x7, v3;
	v4 =	vand.u32 $0xFFFFFFC0, v62  }
0xa6: {  	v3 =	vor.u32 v3, v4  }
0xa7: {  	v4 =	vperm.xlane v3, v0;
	_ =	sdelay $0x1  }
0xa8: {  	v4 =	vadd.s32 v1, v4;
	_ =	sdelay $0x4  }
0xa9: {  	[tilespmem:s12], [sflag:$0x1] =	stream.indirect_vreg.gather [hbm4b:s3+s2], $0x80, v4, vm0, $0xb8;
	[tilespmem:$0x10080] =	vst v63  }
0xaa: {  	v3 =	vperm.xlane v3, v2  }
0xab: {  	[tilespmem:s13], [sflag:$0x1] =	stream.indirect_vreg.gather [hbm4b:s4+s2], $0x80, v4, vm0, $0xb8;
	[tilespmem:$0x10080] =	vst v63  }
0xac: {  	v3 =	vadd.s32 v1, v3  }
0xad: {  	[tilespmem:s14], [sflag:$0x1] =	stream.indirect_vreg.gather [hbm4b:s5+s2], $0x80, v4, vm0, $0xb8;
	[tilespmem:$0x10080] =	vst v63  }
0xae: {  	_ = 	snop  }
0xaf: {  	[tilespmem:s15], [sflag:$0x1] =	stream.indirect_vreg.gather [hbm4b:s6+s2], $0x80, v4, vm0, $0xb8;
	[tilespmem:$0x10080] =	vst v63  }
0xb0: {  	_ = 	snop  }
0xb1: {  	[tilespmem:s16], [sflag:$0x1] =	stream.indirect_vreg.gather [hbm4b:s3+s2], $0x80, v3, vm0, $0xb8;
	[tilespmem:$0x10080] =	vst v63  }
0xb2: {  	_ = 	snop  }
0xb3: {  	[tilespmem:s17], [sflag:$0x1] =	stream.indirect_vreg.gather [hbm4b:s4+s2], $0x80, v3, vm0, $0xb8;
	[tilespmem:$0x10080] =	vst v63  }
0xb4: {  	_ = 	snop  }
0xb5: {  	[tilespmem:s9], [sflag:$0x1] =	stream.indirect_vreg.gather [hbm4b:s5+s2], $0x80, v3, vm0, $0xb8;
	[tilespmem:$0x10080] =	vst v63  }
0xb6: {  	s19 =	simm.s32 $0xB880  }
0xb7: {  	[tilespmem:s19], [sflag:$0x1] =	stream.indirect_vreg.gather [hbm4b:s6+s2], $0x80, v3, vm0, $0xb8;
	[tilespmem:$0x10080] =	vst v63  }
0xb8: {  	v3 =	vld [tilespmem:$0x30];
	_ =	sdelay $0x4  }
0xb9: {  	v63 =	vshll.u32 v3, $0x3  }
0xba: {  	v3 =	vand.u32 $0x7, v3;
	v4 =	vand.u32 $0xFFFFFFC0, v63  }
0xbb: {  	v3 =	vor.u32 v3, v4  }
0xbc: {  	v4 =	vperm.xlane v3, v0;
	_ =	sdelay $0x1  }
0xbd: {  	v4 =	vadd.s32 v1, v4;
	_ =	sdelay $0x3  }
0xbe: {  	s19 =	simm.s32 $0xC080  }
0xbf: {  	[tilespmem:s19], [sflag:$0x1] =	stream.indirect_vreg.gather [hbm4b:s3+s2], $0x80, v4, vm0, $0xb8;
	[tilespmem:$0x10080] =	vst v63  }
0xc0: {  	v3 =	vperm.xlane v3, v2;
	s19 =	simm.s32 $0xC880  }
0xc1: {  	[tilespmem:s19], [sflag:$0x1] =	stream.indirect_vreg.gather [hbm4b:s4+s2], $0x80, v4, vm0, $0xb8;
	[tilespmem:$0x10080] =	vst v63  }
0xc2: {  	v3 =	vadd.s32 v1, v3;
	s19 =	simm.s32 $0xD080  }
0xc3: {  	[tilespmem:s19], [sflag:$0x1] =	stream.indirect_vreg.gather [hbm4b:s5+s2], $0x80, v4, vm0, $0xb8;
	[tilespmem:$0x10080] =	vst v63  }
0xc4: {  	s19 =	simm.s32 $0xD880  }
0xc5: {  	[tilespmem:s19], [sflag:$0x1] =	stream.indirect_vreg.gather [hbm4b:s6+s2], $0x80, v4, vm0, $0xb8;
	[tilespmem:$0x10080] =	vst v63  }
0xc6: {  	s19 =	simm.s32 $0xE080  }
0xc7: {  	[tilespmem:s19], [sflag:$0x1] =	stream.indirect_vreg.gather [hbm4b:s3+s2], $0x80, v3, vm0, $0xb8;
	[tilespmem:$0x10080] =	vst v63  }
0xc8: {  	s19 =	simm.s32 $0xE880  }
0xc9: {  	[tilespmem:s19], [sflag:$0x1] =	stream.indirect_vreg.gather [hbm4b:s4+s2], $0x80, v3, vm0, $0xb8;
	[tilespmem:$0x10080] =	vst v63  }
0xca: {  	s19 =	simm.s32 $0xF080  }
0xcb: {  	[tilespmem:s19], [sflag:$0x1] =	stream.indirect_vreg.gather [hbm4b:s5+s2], $0x80, v3, vm0, $0xb8;
	[tilespmem:$0x10080] =	vst v63  }
0xcc: {  	s19 =	simm.s32 $0xF880  }
0xcd: {  	[tilespmem:s19], [sflag:$0x1] =	stream.indirect_vreg.gather [hbm4b:s6+s2], $0x80, v3, vm0, $0xb8;
	[tilespmem:$0x10080] =	vst v63  }
0xce: {  	_ =	swait.ge [sflag:s18], $0x10000  }
0xcf: {  	p0 =	sne.s32 s7, $0x1;
	[sflag:s18] =	ssyncset.done $0x0  }
.Ltmp0:
0xd0: {  	s1 =	rddreg [dreg:$0x6];
	[sflag:s18] =	ssyncadd.s32 $0xFFFF0000;
	(pc) =	sbr.rel @p0 .LBB2_1-.Ltmp0, $4  }
0xd1: {  	[hbm4b:s1+s2] =	stream.linear.scatter [tilespmem:s0], [sflag:$0x2], $0x10000, $0x38;
	[tilespmem:$0x10080] =	vst v63  }
0xd2: {  	_ =	swait.ge [sflag:s8], $0x10000  }
0xd3: {  	[sflag:s8] =	ssyncset.done $0x0  }
0xd4: {  	s7 =	sadd.s32 $0xFFFFFFFF, s7;
	[sflag:s8] =	ssyncadd.s32 $0xFFFF0000  }
0xd5: {  	_ =	sfence.sel $0x180000  }
0xd6: {  	[bflag:$0x0] =	sbarrier.arrive $0xFFFF  }
0xd7: {  	_ =	strace $0x9000004D  }
0xd8: {  	s0 =	stileid.u32;
	[bflag:$0x2] =	sbarrier.arrive $0xFFFF  }
0xd9: {  	p0 =	sne.s32 s0, $0x0;
	s0 =	rddreg [dreg:$0x2]  }
0xda: {  	s0 =	sadd.s32 @!p0 $0x100000, s0  }
0xdb: {  	[sflag:s0] =	ssyncadd.tile.s32 @!p0 $0x1;
	_ =	shalt  }
.Lfunc_end2:
_tile_overlayer_lowered:
.L_overlay_start_2:
0xdc: {  	(tag) =	ssettag $0x2  }
0xdd: {  	s0 =	rddreg [dreg:$0x0];
	s2 =	stileid.u32  }
0xde: {  	s1 =	rddreg [dreg:$0x1];
	p0 =	sne.s32 s2, $0x0  }
0xdf: {  	s3 =	rddreg [dreg:$0x2];
	[bflag:$0x3] =	sbarrier.arrive $0xFFFF;
	s2 =	simm.s32 @!p0 $0x1C02  }
0xe0: {  	[timem:s3], [sflag:s2] =	dma.local @!p0 [hbm:s0], s1  }
0xe1: {  	s0 =	simm.s32 @!p0 $0x2  }
0xe2: {  	_ =	swait.ge @!p0 [sflag:s0], s1  }
0xe3: {  	s1 =	ssub.s32 @!p0 $0x0, s1;
	[sflag:s0] =	ssyncset.done @!p0 $0x0  }
0xe4: {  	[sflag:s0] =	ssyncadd.s32 @!p0 s1  }
0xe5: {  	[bflag:$0x3] =	sbarrier.arrive $0xFFFF  }
0xe6: {  	_ =	shalt  }

// kernel: kernel.9.cloned.1.call-start
scs
__scs_entry_jumppad:
0x0: {  	(pc) =	sbr.rel $0x88, $3  }
0x1: {  	(tag) =	ssettag $0x0;
	lr =	simm.s32 $0x1  }
0x2: {  	[smem:$0x3F99] =	sst lr;
	_ =	strace $0xD0000000  }
0x3: {  	_ = 	snop  }
0x4: {  	_ = 	snop  }
0x5: {  	_ = 	snop  }
0x6: {  	_ = 	snop  }
0x7: {  	_ = 	snop  }
__scs_overlays_trampoline_lowered:
0x8: {  	[smem:$0x3FA8] =	sst s0  }
0x9: {  	[smem:$0x3FA9] =	sst s1  }
0xa: {  	[smem:$0x3FAA] =	sst s2  }
0xb: {  	[smem:$0x3FAB] =	sst s3  }
0xc: {  	[smem:$0x3FAC] =	sst s4  }
0xd: {  	[smem:$0x3FAD] =	sst s5  }
0xe: {  	[smem:$0x3FAE] =	sst s6  }
0xf: {  	[smem:$0x3FAF] =	sst s7  }
0x10: {  	[smem:$0x3FB0] =	sst s8  }
0x11: {  	[smem:$0x3FB1] =	sst s9;
	s0 =	simm.s32 @!p0 $0x0  }
0x12: {  	s1 =	sld [smem:$0x3F97];
	s0 =	simm.s32 @p0 $0x1  }
0x13: {  	[smem:$0x3FB2] =	sst s0;
	s0 =	simm.s32 @!p1 $0x0  }
0x14: {  	s2 =	sld [smem:$0x3F96];
	s0 =	simm.s32 @p1 $0x1  }
0x15: {  	[smem:$0x3FB3] =	sst s0;
	s0 =	simm.s32 @!p2 $0x0  }
0x16: {  	s3 =	sld [smem:$0x3FDB];
	s0 =	simm.s32 @p2 $0x1  }
0x17: {  	s4 =	simm.s32 $0x1BF5;
	[smem:$0x3FB5] =	sst s0  }
0x18: {  	s0 =	sld [smem:$0x3F98];
	_ =	swait.ge [sflag:s4], $0x0  }
0x19: {  	s7 =	sld [smem:$0x3F99]  }
0x1a: {  	s8 =	sadd.s32 $0xFFFFE003, lr  }
0x1b: {  	s9 =	sadd.s32 $0xFFFFFEF7, lr;
	s5 =	simm.s32 $0xFFFFFFFF;
	p2 =	slt.u32 s8, $0xFFFFF086  }
0x1c: {  	p1 =	slt.u32 s9, $0xF7A;
	s5 =	simm.s32 @!p2 $0x0  }
0x1d: {  	s5 =	simm.s32 @p1 $0x1;
	p0 =	seq.s32 s7, s2  }
0x1e: {  	s7 =	smul.u32 @!p0 $0xF7A, s2;
	p2 =	seq.s32 @!p0 s5, $0x0  }
0x1f: {  	s9 =	smul.u32 $0xF7A, s1;
	s8 =	simm.s32 @!p0 $0x1BF5;
	p2 =	por !p2, p0  }
0x20: {  	[sflag:s8] =	ssyncset.s32 @!p0 $0xFFFFF086;
	s6 =	sadd.s32 @!p0 s3, s7;
	s7 =	simm.s32 @!p0 $0x108  }
0x21: {  	s3 =	sadd.s32 s3, s9;
	s6 =	sadd.s32 @!p0 $0x88, s6;
	s7 =	simm.s32 @p2 $0x1082  }
0x22: {  	[simem:s7], [sflag:s8] =	dma.local @!p0 [hbm:s6], $0xF7A  }
0x23: {  	s9 =	sor.u32 $0xD0000000, s2;
	s6 =	simm.s32 $0x108;
	_ =	swait.ge @!p0 [sflag:s8], $0x0  }
0x24: {  	s3 =	sadd.s32 $0x88, s3;
	s6 =	simm.s32 @!p1 $0x1082;
	[sflag:s4] =	ssyncset.s32 $0xFFFFF086  }
0x25: {  	[simem:s6], [sflag:s4] =	dma.local [hbm:s3], $0xF7A  }
0x26: {  	[smem:$0x3F99] =	sst s1;
	(tag) =	ssettag s2;
	_ =	strace s9  }
0x27: {  	s1 =	sld [smem:$0x3FA9]  }
0x28: {  	s2 =	sld [smem:$0x3FAA]  }
0x29: {  	s4 =	sld [smem:$0x3FAC]  }
0x2a: {  	p0 =	seq.s32 s5, $0x0;
	s5 =	sld [smem:$0x3FAD]  }
0x2b: {  	s6 =	sld [smem:$0x3FAE]  }
0x2c: {  	s7 =	sld [smem:$0x3FAF]  }
0x2d: {  	s3 =	simm.s32 $0x108;
	s8 =	sld [smem:$0x3FB0]  }
0x2e: {  	s3 =	simm.s32 @!p0 $0x1082;
	s9 =	sld [smem:$0x3FB1]  }
0x2f: {  	lr =	sadd.s32 s0, s3;
	s0 =	sld [smem:$0x3FA8]  }
0x30: {  	s3 =	sld [smem:$0x3FAB]  }
0x31: {  	[smem:$0x3FB4] =	sst s10  }
0x32: {  	s10 =	sld [smem:$0x3FB2];
	_ =	sdelay $0x3  }
0x33: {  	p0 =	seq.s32 s10, $0x1;
	s10 =	sld [smem:$0x3FB4];
	_ =	sdelay $0x3  }
0x34: {  	[smem:$0x3FB4] =	sst s10  }
0x35: {  	s10 =	sld [smem:$0x3FB3];
	_ =	sdelay $0x3  }
0x36: {  	p1 =	seq.s32 s10, $0x1;
	s10 =	sld [smem:$0x3FB4];
	_ =	sdelay $0x3  }
0x37: {  	[smem:$0x3FB4] =	sst s10  }
0x38: {  	s10 =	sld [smem:$0x3FB5]  }
0x39: {  	_ = 	snop;
	(pc) =	sbr.ind lr, $3  }
0x3a: {  	_ = 	snop  }
0x3b: {  	_ = 	snop  }
0x3c: {  	p2 =	seq.s32 s10, $0x1;
	s10 =	sld [smem:$0x3FB4]  }
0x3d: {  	_ =	shalt  }
0x3e: {  	_ =	shalt  }
0x3f: {  	_ =	shalt  }
0x40: {  	_ =	shalt  }
0x41: {  	_ =	shalt  }
0x42: {  	_ =	shalt  }
0x43: {  	_ =	shalt  }
0x44: {  	_ =	shalt  }
0x45: {  	_ =	shalt  }
0x46: {  	_ =	shalt  }
0x47: {  	_ =	shalt  }
0x48: {  	_ =	shalt  }
0x49: {  	_ =	shalt  }
0x4a: {  	_ =	shalt  }
0x4b: {  	_ =	shalt  }
0x4c: {  	_ =	shalt  }
0x4d: {  	_ =	shalt  }
0x4e: {  	_ =	shalt  }
0x4f: {  	_ =	shalt  }
0x50: {  	_ =	shalt  }
0x51: {  	_ =	shalt  }
0x52: {  	_ =	shalt  }
0x53: {  	_ =	shalt  }
0x54: {  	_ =	shalt  }
0x55: {  	_ =	shalt  }
0x56: {  	_ =	shalt  }
0x57: {  	_ =	shalt  }
0x58: {  	_ =	shalt  }
0x59: {  	_ =	shalt  }
0x5a: {  	_ =	shalt  }
0x5b: {  	_ =	shalt  }
0x5c: {  	_ =	shalt  }
0x5d: {  	_ =	shalt  }
0x5e: {  	_ =	shalt  }
0x5f: {  	_ =	shalt  }
0x60: {  	_ =	shalt  }
0x61: {  	_ =	shalt  }
0x62: {  	_ =	shalt  }
0x63: {  	_ =	shalt  }
0x64: {  	_ =	shalt  }
0x65: {  	_ =	shalt  }
0x66: {  	_ =	shalt  }
0x67: {  	_ =	shalt  }
0x68: {  	_ =	shalt  }
0x69: {  	_ =	shalt  }
0x6a: {  	_ =	shalt  }
0x6b: {  	_ =	shalt  }
0x6c: {  	_ =	shalt  }
0x6d: {  	_ =	shalt  }
0x6e: {  	_ =	shalt  }
0x6f: {  	_ =	shalt  }
0x70: {  	_ =	shalt  }
0x71: {  	_ =	shalt  }
0x72: {  	_ =	shalt  }
0x73: {  	_ =	shalt  }
0x74: {  	_ =	shalt  }
0x75: {  	_ =	shalt  }
0x76: {  	_ =	shalt  }
0x77: {  	_ =	shalt  }
0x78: {  	_ =	shalt  }
0x79: {  	_ =	shalt  }
0x7a: {  	_ =	shalt  }
0x7b: {  	_ =	shalt  }
0x7c: {  	_ =	shalt  }
0x7d: {  	_ =	shalt  }
0x7e: {  	_ =	shalt  }
0x7f: {  	_ =	shalt  }
0x80: {  	_ =	shalt  }
0x81: {  	_ =	shalt  }
0x82: {  	_ =	shalt  }
0x83: {  	_ =	shalt  }
0x84: {  	_ =	shalt  }
0x85: {  	_ =	shalt  }
0x86: {  	_ =	shalt  }
0x87: {  	_ =	shalt  }
.Lfunc_end0:
.L_simem_size_0:
called_computation_lowered:
.L_overlay_start_0:
0x88: {  	s2 =	sld [smem:$0x3FD9]  }
0x89: {  	s3 =	sld [smem:$0x3FFE];
	_ =	sdelay $0x1  }
0x8a: {  	s1 =	srdreg.scid  }
0x8b: {  	s0 =	sand.u32 $0x1, s1  }
0x8c: {  	s17 =	sshll.u32 s0, $0xA;
	s2 =	sadd.s32 s3, s2  }
0x8d: {  	s2 =	sadd.s32 s2, s17  }
0x8e: {  	[smem:$0x3FC0] =	sst s2  }
0x8f: {  	_ = 	snop  }
0x90: {  	s2 =	sld [smem:$0x3FD0];
	(tm) =	ssettm $0x1  }
0x91: {  	s18 =	sld [smem:$0x3FFB];
	_ =	sdelay $0x3  }
0x92: {  	_ =	strace s18  }
0x93: {  	s3 =	sld [smem:$0x3FFC];
	_ =	sdelay $0x3  }
0x94: {  	_ =	strace s3  }
0x95: {  	s3 =	sld [smem:$0x3FFD];
	_ =	sdelay $0x3  }
0x96: {  	_ =	strace s3  }
0x97: {  	_ =	strace $0x8FFFFFFF  }
0x98: {  	s19 =	sld [smem:$0x3FDB];
	_ =	sdelay $0x1  }
0x99: {  	s4 =	simm.s32 $_scs_section_size  }
0x9a: {  	s5 =	simm.s32 $_size__tile_overlayer_lowered;
	s6 =	simm.s32 $_tile_overlayer_lowered  }
0x9b: {  	s22 =	simm.s32 $0x1BFF;
	s21 =	sshll.u32 s6, $0x1;
	s3 =	sadd.s32 s4, s19  }
0x9c: {  	s7 =	simm.s32 $0x0;
	s20 =	sshll.u32 s5, $0x1;
	s5 =	sadd.s32 s21, s3  }
0x9d: {  	[timem:s7], [sflag:s22] =	dma.local [hbm:s5], s20  }
0x9e: {  	_ =	swait.ge [sflag:s22], s20  }
0x9f: {  	s4 =	ssub.s32 $0x0, s20;
	[sflag:s22] =	ssyncset.done $0x0  }
0xa0: {  	[sflag:s22] =	ssyncadd.s32 s4;
	_ =	sdelay $0x1  }
0xa1: {  	s23 =	simm.s32 $0x1B8B  }
0xa2: {  	_ =	swait.ge [sflag:s23], $0x1  }
0xa3: {  	[sflag:s23] =	ssyncset.done $0x0  }
0xa4: {  	s25 =	simm.s32 $0x1B8E;
	s24 =	sld [smem:$0x3FFE];
	[sflag:s23] =	ssyncadd.s32 $0xFFFFFFFF  }
0xa5: {  	s26 =	simm.s32 $execute0_lowered;
	[smem:$0x3FD2] =	sst s25  }
0xa6: {  	s5 =	sshll.u32 s26, $0x1;
	_ =	strace $0x80000046;
	[dreg:$0x1] =	wrdreg $0xFFFFFFFF  }
0xa7: {  	s28 =	simm.s32 $_size_execute0_lowered;
	s3 =	sadd.s32 s3, s5;
	[dreg:$0x0] =	wrdreg $0x0  }
0xa8: {  	s5 =	sshll.u32 s28, $0x1;
	[dreg:$0x2] =	wrdreg s3  }
0xa9: {  	[dreg:$0x3] =	wrdreg s5  }
0xaa: {  	[dreg:$0x4] =	wrdreg $0xC0  }
0xab: {  	_ =	task [dreg:s7], $0x5FFFF  }
0xac: {  	[dreg:$0x1] =	wrdreg $0xFFFFFFFF  }
0xad: {  	[dreg:$0x0] =	wrdreg $0x60  }
0xae: {  	[dreg:$0x2] =	wrdreg s2  }
0xaf: {  	[dreg:$0x3] =	wrdreg s24  }
0xb0: {  	[dreg:$0x4] =	wrdreg $0x9  }
0xb1: {  	_ =	task.clear_ibuf [dreg:s7], $0x5FFFF;
	_ =	strace $0x90000046  }
0xb2: {  	s29 =	simm.s32 $0x9;
	_ =	strace $0x80000048  }
0xb3: {  	_ =	swait.ge [sflag:s29], $0x1  }
0xb4: {  	[sflag:s29] =	ssyncadd.s32 $0xFFFFFFFF  }
0xb5: {  	_ =	strace $0x90000048  }
0xb6: {  	_ =	sfence  }
0xb7: {  	s30 =	sld [smem:$0x0];
	_ =	sdelay $0x2  }
0xb8: {  	s31 =	sshll.u32 s1, $0xD;
	s1 =	sshrl.u32 s1, $0x2  }
0xb9: {  	s3 =	sand.u32 $0x4000, s31;
	s1 =	sadd.s32 s1, s30  }
0xba: {  	s0 =	sor.u32 s3, s0;
	s1 =	sshll.u32 s1, $0x11  }
0xbb: {  	s0 =	sor.u32 s1, s0  }
0xbc: {  	s0 =	sadd.s32 $0x8F2B, s0  }
0xbd: {  	[sflag:s0] =	ssyncadd.remote.s32 $0x1  }
0xbe: {  	_ =	sfence.sel $0xFFFF  }
0xbf: {  	[dreg:$0x0] =	wrdreg $0xFFFFFFFF;
	(pc) =	sbr.abs _section_cstart, $3  }
0xc0: {  	[dreg:$0x1] =	wrdreg $0xFFFFFFFF  }
0xc1: {  	_ =	task.clear_ibuf [dreg:s7], $0x2FFFF;
	_ =	strace $0x9FFFFFFF  }
0xc2: {  	(tm) =	ssettm $0x7FFFFFFF  }
0xc3: {  	_ =	shalt  }
tec
execute0_lowered:
.L_overlay_start_1:
0x0: {  	(tag) =	ssettag $0x1  }
0x1: {  	s0 =	srdreg.scid  }
0x2: {  	s4 =	sand.u32 $0x1, s0;
	s0 =	stileid.u32  }
0x3: {  	s5 =	sshll.u32 s0, $0x1;
	s6 =	ssub.s32 $0x0, s4  }
0x4: {  	p0 =	sne.s32 s5, s6  }
.Ltmp0:
0x5: {  	_ = 	snop;
	(pc) =	sbr.rel @p0 .LBB2_7-.Ltmp0, $4  }
0x6: {  	_ = 	snop  }
0x7: {  	s2 =	rddreg [dreg:$0x0]  }
0x8: {  	s3 =	rddreg [dreg:$0x1]  }
0x9: {  	s1 =	rddreg [dreg:$0x2];
	_ =	strace $0x80000047  }
0xa: {  	s4 =	ssub.s32 $0x2, s4  }
0xb: {  	s3 =	sadd.s32 $0x2E00, s3;
	s5 =	sshrl.u32 s4, $0x1  }
0xc: {  	s6 =	simm.s32 $0x1;
	s7 =	simm.s32 $0x4000;
	s4 =	ssub.s32 s4, s5  }
0xd: {  	v0 =	vlaneseq.u32;
	s8 =	simm.s32 $0x0;
	s5 =	simm.s32 $0x0;
	s4 =	smax.u32 s4, $0x1  }
.LBB2_2:
0xe: {  	[tilespmem:s5], [sflag:$0x1] =	stream.linear.gather [hbm4b:s2+s5], $0x4000, $0x38;
	[tilespmem:$0x5800] =	vst v63  }
0xf: {  	_ =	swait.ge [sflag:s6], $0x4000  }
0x10: {  	[sflag:s6] =	ssyncset.done $0x0  }
0x11: {  	s9 =	simm.s32 $0x4000;
	s10 =	simm.s32 $0x0;
	[sflag:s6] =	ssyncadd.s32 $0xFFFFC000  }
.LBB2_3:
0x12: {  	p0 =	sne.s32 s10, $0x17F0  }
.Ltmp1:
0x13: {  	_ = 	snop;
	(pc) =	sbr.rel @p0 .LBB2_3-.Ltmp1, $4  }
0x14: {  	_ = 	snop  }
0x15: {  	v1 =	vor.u32 s10, v0  }
0x16: {  	v1 =	vand.u32 $0x7FF, v1  }
0x17: {  	s10 =	sadd.s32 $0x10, s10;
	[tilespmem:s9+$0x0] =	vst v1;
	s9 =	sadd.s32 $0x10, s9  }
0x18: {  	s9 =	simm.s32 $0x0  }
0x19: {  	v1 =	vor.u32 s9, v0  }
0x1a: {  	v2 =	vshll.u32 v1, $0x3;
	_ =	sdelay $0x4  }
0x1b: {  	v3 =	vld.idx.msk [tilespmem:v2+s5+$0x0], $0xffff;
	_ =	sdelay $0x3  }
0x1c: {  	v2 =	vor.u32 $0x1, v2;
	_ =	sdelay $0x3  }
0x1d: {  	[tilespmem:v3+s7+$0x0] =	vst.idx.msk $0xffff, v1  }
0x1e: {  	v3 =	vld.idx.msk [tilespmem:v2+s5+$0x0], $0xffff;
	_ =	sdelay $0x1  }
0x1f: {  	s31 =	simm.s32 $0x10  }
0x20: {  	s9 =	simm.s32 $0x20;
	v2 =	vor.u32 s31, v0  }
.LBB2_5:
0x21: {  	p0 =	sne.s32 s9, $0x7F0;
	v4 =	vshll.u32 v2, $0x3;
	_ =	sdelay $0x3  }
0x22: {  	[tilespmem:v3+s7+$0x0] =	vst.idx.msk $0xffff, v1;
	v1 =	vmov v2  }
0x23: {  	v2 =	vld.idx.msk [tilespmem:v4+s5+$0x0], $0xffff;
	_ =	sdelay $0x3  }
0x24: {  	v3 =	vor.u32 $0x1, v4;
	_ =	sdelay $0x3  }
.Ltmp2:
0x25: {  	[tilespmem:v2+s7+$0x0] =	vst.idx.msk $0xffff, v1;
	(pc) =	sbr.rel @p0 .LBB2_5-.Ltmp2, $2  }
0x26: {  	v3 =	vld.idx.msk [tilespmem:v3+s5+$0x0], $0xffff;
	_ =	sdelay $0x2  }
0x27: {  	v2 =	vor.u32 s9, v0;
	s9 =	sadd.s32 $0x10, s9  }
0x28: {  	_ = 	snop  }
0x29: {  	v4 =	vshll.u32 v2, $0x3;
	_ =	sdelay $0x3  }
0x2a: {  	[tilespmem:v3+s7+$0x0] =	vst.idx.msk $0xffff, v1  }
0x2b: {  	v1 =	vld.idx.msk [tilespmem:v4+s5+$0x0], $0xffff;
	_ =	sdelay $0x3  }
0x2c: {  	v3 =	vor.u32 $0x1, v4;
	_ =	sdelay $0x3  }
0x2d: {  	[tilespmem:v1+s7+$0x0] =	vst.idx.msk $0xffff, v2  }
0x2e: {  	v1 =	vld.idx.msk [tilespmem:v3+s5+$0x0], $0xffff;
	_ =	sdelay $0x5  }
0x2f: {  	s8 =	sadd.s32 $0x1, s8  }
0x30: {  	p0 =	sne.s32 s8, s4  }
.Ltmp3:
0x31: {  	[tilespmem:v1+s7+$0x0] =	vst.idx.msk $0xffff, v2;
	(pc) =	sbr.rel @p0 .LBB2_2-.Ltmp3, $4  }
0x32: {  	[hbm4b:s3+s5] =	stream.linear.scatter [tilespmem:s7], [sflag:$0x1], $0x1800, $0x38;
	[tilespmem:$0x5800] =	vst v63  }
0x33: {  	_ =	swait.ge [sflag:s6], $0x1800  }
0x34: {  	[sflag:s6] =	ssyncset.done $0x0  }
0x35: {  	[sflag:s6] =	ssyncadd.s32 $0xFFFFE800  }
.LBB2_7:
0x36: {  	_ =	sfence.sel $0x180000  }
0x37: {  	[bflag:$0x0] =	sbarrier.arrive $0xFFFF  }
0x38: {  	p0 =	sne.s32 s0, $0x0;
	_ =	strace $0x90000047  }
0x39: {  	s0 =	sadd.s32 @!p0 $0x100000, s1;
	[bflag:$0x2] =	sbarrier.arrive $0xFFFF  }
0x3a: {  	[sflag:s0] =	ssyncadd.tile.s32 @!p0 $0x1;
	_ =	shalt  }
.Lfunc_end2:
_tile_overlayer_lowered:
.L_overlay_start_2:
0x3b: {  	(tag) =	ssettag $0x2  }
0x3c: {  	s0 =	rddreg [dreg:$0x0];
	s2 =	stileid.u32  }
0x3d: {  	s1 =	rddreg [dreg:$0x1];
	p0 =	sne.s32 s2, $0x0  }
0x3e: {  	s3 =	rddreg [dreg:$0x2];
	[bflag:$0x3] =	sbarrier.arrive $0xFFFF;
	s2 =	simm.s32 @!p0 $0x1C01  }
0x3f: {  	[timem:s3], [sflag:s2] =	dma.local @!p0 [hbm:s0], s1  }
0x40: {  	s0 =	simm.s32 @!p0 $0x1  }
0x41: {  	_ =	swait.ge @!p0 [sflag:s0], s1  }
0x42: {  	s1 =	ssub.s32 @!p0 $0x0, s1;
	[sflag:s0] =	ssyncset.done @!p0 $0x0  }
0x43: {  	[sflag:s0] =	ssyncadd.s32 @!p0 s1  }
0x44: {  	[bflag:$0x3] =	sbarrier.arrive $0xFFFF  }
0x45: {  	_ =	shalt  }

</sc_bundles>
